<compile_context>
chip_gen: v7x
topology: tpu7x:2x2x1
jax: 0.10.2.dev20260603
libtpu: 0.0.44.dev20260713+nightly
codegen_flags: <defaults>
</compile_context>

<pallas_src>
import functools

import jax
import jax.numpy as jnp
from jax import lax
from jax.experimental import pallas as pl
from jax.experimental.pallas import tpu as pltpu
from jax.experimental.pallas import tpu_sc as plsc

N = 50000
C = 128
NCOEF = 25
NZ = NCOEF - 1
NW = 32
S = 1584
R = 8
CH = S // R
NB = 3
GROUPS = CH // NB
LA = 1

_mesh = plsc.VectorSubcoreMesh(core_axis_name="c", subcore_axis_name="s")


@functools.partial(
    pl.kernel,
    mesh=_mesh,
    out_type=jax.ShapeDtypeStruct((N, NCOEF, C), jnp.float32),
    scratch_types=[
        pltpu.VMEM((S,), jnp.int32),
        pltpu.VMEM((NB, R, NCOEF, C), jnp.float32),
        pltpu.VMEM_SHARED((100, 1, C), jnp.float32),
        pltpu.SemaphoreType.DMA,
        pltpu.SemaphoreType.DMA,
        pltpu.SemaphoreType.DMA,
        pltpu.SemaphoreType.DMA,
        pltpu.SemaphoreType.DMA,
        pltpu.SemaphoreType.DMA,
    ],
)
def _emb_sc(idx_hbm, table_hbm, zeros_hbm, out_hbm, idx_v, buf, table_s,
            gsem0, gsem1, gsem2, wsem0, wsem1, wsem2):
    cid = lax.axis_index("c")
    sid = lax.axis_index("s")
    wid = sid * 2 + cid
    gsem = (gsem0, gsem1, gsem2)
    wsem = (wsem0, wsem1, wsem2)
    base_w = jnp.minimum(wid * S, N - S)

    for b in range(NB):
        pltpu.sync_copy(zeros_hbm, buf.at[b, :, pl.ds(1, NZ), :])

    pltpu.sync_copy(idx_hbm.at[pl.ds(base_w, S)], idx_v)

    @pl.when(sid == 0)
    def _():
        pltpu.sync_copy(table_hbm, table_s)

    plsc.subcore_barrier()

    for b in range(LA):
        pltpu.async_copy(
            table_s.at[idx_v.at[pl.ds(b * R, R)]],
            buf.at[b, :, pl.ds(0, 1), :], gsem[b],
        )

    def group(g, carry):
        for b in range(NB):
            c = NB * g + b
            pltpu.make_async_copy(
                table_s.at[idx_v.at[pl.ds(0, R)]],
                buf.at[b, :, pl.ds(0, 1), :], gsem[b],
            ).wait()
            pltpu.async_copy(
                buf.at[b], out_hbm.at[pl.ds(base_w + c * R, R)], wsem[b]
            )

            bn = (b + LA) % NB

            @pl.when(jnp.logical_and(c >= NB - LA, c + LA < CH))
            def _():
                pltpu.make_async_copy(
                    buf.at[bn], out_hbm.at[pl.ds(0, R)], wsem[bn]
                ).wait()

            @pl.when(c + LA < CH)
            def _():
                pltpu.async_copy(
                    table_s.at[idx_v.at[pl.ds((c + LA) * R, R)]],
                    buf.at[bn, :, pl.ds(0, 1), :], gsem[bn],
                )
        return carry

    lax.fori_loop(0, GROUPS, group, 0)

    for b in range(NB):
        pltpu.make_async_copy(
            buf.at[b], out_hbm.at[pl.ds(0, R)], wsem[b]
        ).wait()


def kernel(atomic_numbers, embedding_table):
    idx = atomic_numbers.astype(jnp.int32)
    table3 = embedding_table.reshape(embedding_table.shape[0], 1, C)
    zeros = jnp.zeros((R, NZ, C), jnp.float32)
    return _emb_sc(idx, table3, zeros)

# --- scband reference (transcript-rebuilt; emitter-appended) ---
"""Pipeline reference for scband-m0-l0-embedding-82575041232934 (READ-ONLY COPY).

The authoritative reference and input builder live on the scoring server;
editing this copy changes nothing except your own understanding.
"""

import jax, jax.numpy as jnp
import numpy as np

NUM_ATOMS = 100
SPHERE_CHANNELS = 128
LMAX = 4
N_NODES = 50000


def setup_inputs(seed: int = 0) -> dict:
    key = jax.random.key(seed)
    k_idx, k_emb = jax.random.split(key)
    atomic_numbers = jax.random.randint(k_idx, (N_NODES,), 0, NUM_ATOMS, dtype=jnp.int64 if jax.config.jax_enable_x64 else jnp.int32)
    # nn.Embedding default init: N(0, 1)
    embedding_table = jax.random.normal(k_emb, (NUM_ATOMS, SPHERE_CHANNELS), dtype=jnp.float32)
    return {"atomic_numbers": atomic_numbers, "embedding_table": embedding_table}


def reference(atomic_numbers, embedding_table):
    # x_l0m0 = embedding(atomic_numbers)  -> [N, C]
    x_l0m0 = jnp.take(embedding_table, atomic_numbers, axis=0)
    # x_l0m0 = x_l0m0[..., None, :]       -> [N, 1, C]
    x_l0m0 = x_l0m0[..., None, :]
    n_coeffs = (LMAX + 1) ** 2
    zeros = jnp.zeros((x_l0m0.shape[0], n_coeffs - x_l0m0.shape[1], x_l0m0.shape[2]), dtype=x_l0m0.dtype)
    x = jnp.concatenate((x_l0m0, zeros), axis=1)  # [N, (lmax+1)^2, C]
    return x

if __name__ == "__main__":
    import jax
    _d = setup_inputs()
    print(jax.jit(kernel)(*tuple(_d.values())))

</pallas_src>

<mosaic_0001>
#map = affine_map<(d0, d1) -> (0)>
#map1 = affine_map<(d0, d1) -> (0, 0, 0)>
module attributes {stable_mosaic.version = 14 : i64} {
  func.func @_emb_sc(%arg0: i32, %arg1: i32, %arg2: memref<50000xi32, #tpu.memory_space<hbm>>, %arg3: memref<100x1x128xf32, #tpu.memory_space<hbm>>, %arg4: memref<8x24x128xf32, #tpu.memory_space<hbm>>, %arg5: memref<50000x25x128xf32, #tpu.memory_space<hbm>>, %arg6: memref<1584xi32, #tpu.memory_space<vmem>>, %arg7: memref<3x8x25x128xf32, #tpu.memory_space<vmem>>, %arg8: memref<100x1x128xf32, #tpu.memory_space<vmem_shared>>, %arg9: memref<!tpu.dma_semaphore, #tpu.memory_space<semaphore_mem>>, %arg10: memref<!tpu.dma_semaphore, #tpu.memory_space<semaphore_mem>>, %arg11: memref<!tpu.dma_semaphore, #tpu.memory_space<semaphore_mem>>, %arg12: memref<!tpu.dma_semaphore, #tpu.memory_space<semaphore_mem>>, %arg13: memref<!tpu.dma_semaphore, #tpu.memory_space<semaphore_mem>>, %arg14: memref<!tpu.dma_semaphore, #tpu.memory_space<semaphore_mem>>) attributes {dimension_semantics = [#tpu.dimension_semantics<core_parallel>, #tpu.dimension_semantics<subcore_parallel>], iteration_bounds = array<i64: 2, 16>, scalar_prefetch = 0 : i64, scratch_operands = 9 : i64, tpu.core_type = #tpu.core_type<sc_vector_subcore>, window_params = [{transform_indices = #map}, {transform_indices = #map1}, {transform_indices = #map1}, {transform_indices = #map1}]} {
    %mul3A = arith.constant 2 : i32
    %mul3A_0 = arith.muli %arg1, %mul3A : i32
    %add3A = arith.addi %mul3A_0, %arg0 : i32
    %mul3A_1 = arith.constant 1584 : i32
    %mul3A_2 = arith.muli %add3A, %mul3A_1 : i32
    %min3A = arith.constant 48416 : i32
    %min3A_3 = arith.minsi %mul3A_2, %min3A : i32
    %run_scoped3A = arith.constant 0 : i32
    "tpu.region"() ({
      %run_scoped3A_80 = tpu.sem_alloc : memref<!tpu.dma_semaphore, #tpu.memory_space<semaphore_mem>>
      %dma_start3A_81 = arith.constant 0 : i32
      %dma_start3A_82 = arith.constant 1 : i32
      %dma_start3A_83 = arith.constant 0 : i32
      %dma_start3A_84 = tpu.memref_slice %arg7[%run_scoped3A, %dma_start3A_81, %dma_start3A_82, %dma_start3A_83] : memref<3x8x25x128xf32, #tpu.memory_space<vmem>> -> memref<1x8x24x128xf32, #tpu.memory_space<vmem>>
      %dma_start3A_85 = tpu.memref_squeeze %dma_start3A_84 : memref<1x8x24x128xf32, #tpu.memory_space<vmem>> -> memref<8x24x128xf32, #tpu.memory_space<vmem>>
      %dma_start3A_86 = arith.constant 0 : i32
      %dma_start3A_87 = arith.constant 1 : i32
      %dma_start3A_88 = arith.constant 0 : i32
      %dma_start3A_89 = tpu.memref_slice %arg7[%run_scoped3A, %dma_start3A_86, %dma_start3A_87, %dma_start3A_88] : memref<3x8x25x128xf32, #tpu.memory_space<vmem>> -> memref<1x8x24x128xf32, #tpu.memory_space<vmem>>
      %dma_start3A_90 = tpu.memref_squeeze %dma_start3A_89 : memref<1x8x24x128xf32, #tpu.memory_space<vmem>> -> memref<8x24x128xf32, #tpu.memory_space<vmem>>
      tpu.enqueue_dma source(%arg4 : memref<8x24x128xf32, #tpu.memory_space<hbm>>) target(%dma_start3A_90 : memref<8x24x128xf32, #tpu.memory_space<vmem>>) target_semaphore(%run_scoped3A_80 : memref<!tpu.dma_semaphore, #tpu.memory_space<semaphore_mem>>)
      %dma_wait3A_91 = arith.constant 0 : i32
      %dma_wait3A_92 = arith.constant 1 : i32
      %dma_wait3A_93 = arith.constant 0 : i32
      %dma_wait3A_94 = tpu.memref_slice %arg7[%run_scoped3A, %dma_wait3A_91, %dma_wait3A_92, %dma_wait3A_93] : memref<3x8x25x128xf32, #tpu.memory_space<vmem>> -> memref<1x8x24x128xf32, #tpu.memory_space<vmem>>
      %dma_wait3A_95 = tpu.memref_squeeze %dma_wait3A_94 : memref<1x8x24x128xf32, #tpu.memory_space<vmem>> -> memref<8x24x128xf32, #tpu.memory_space<vmem>>
      %dma_wait3A_96 = arith.constant 0 : i32
      %dma_wait3A_97 = arith.constant 1 : i32
      %dma_wait3A_98 = arith.constant 0 : i32
      %dma_wait3A_99 = tpu.memref_slice %arg7[%run_scoped3A, %dma_wait3A_96, %dma_wait3A_97, %dma_wait3A_98] : memref<3x8x25x128xf32, #tpu.memory_space<vmem>> -> memref<1x8x24x128xf32, #tpu.memory_space<vmem>>
      %dma_wait3A_100 = tpu.memref_squeeze %dma_wait3A_99 : memref<1x8x24x128xf32, #tpu.memory_space<vmem>> -> memref<8x24x128xf32, #tpu.memory_space<vmem>>
      tpu.wait_dma2 semaphore(%run_scoped3A_80 : memref<!tpu.dma_semaphore, #tpu.memory_space<semaphore_mem>>) src(%arg4 : memref<8x24x128xf32, #tpu.memory_space<hbm>>) dst(%dma_wait3A_100 : memref<8x24x128xf32, #tpu.memory_space<vmem>>)
      tpu.yield
    }) : () -> ()
    %run_scoped3A_4 = arith.constant 1 : i32
    "tpu.region"() ({
      %run_scoped3A_80 = tpu.sem_alloc : memref<!tpu.dma_semaphore, #tpu.memory_space<semaphore_mem>>
      %dma_start3A_81 = arith.constant 0 : i32
      %dma_start3A_82 = arith.constant 1 : i32
      %dma_start3A_83 = arith.constant 0 : i32
      %dma_start3A_84 = tpu.memref_slice %arg7[%run_scoped3A_4, %dma_start3A_81, %dma_start3A_82, %dma_start3A_83] : memref<3x8x25x128xf32, #tpu.memory_space<vmem>> -> memref<1x8x24x128xf32, #tpu.memory_space<vmem>>
      %dma_start3A_85 = tpu.memref_squeeze %dma_start3A_84 : memref<1x8x24x128xf32, #tpu.memory_space<vmem>> -> memref<8x24x128xf32, #tpu.memory_space<vmem>>
      %dma_start3A_86 = arith.constant 0 : i32
      %dma_start3A_87 = arith.constant 1 : i32
      %dma_start3A_88 = arith.constant 0 : i32
      %dma_start3A_89 = tpu.memref_slice %arg7[%run_scoped3A_4, %dma_start3A_86, %dma_start3A_87, %dma_start3A_88] : memref<3x8x25x128xf32, #tpu.memory_space<vmem>> -> memref<1x8x24x128xf32, #tpu.memory_space<vmem>>
      %dma_start3A_90 = tpu.memref_squeeze %dma_start3A_89 : memref<1x8x24x128xf32, #tpu.memory_space<vmem>> -> memref<8x24x128xf32, #tpu.memory_space<vmem>>
      tpu.enqueue_dma source(%arg4 : memref<8x24x128xf32, #tpu.memory_space<hbm>>) target(%dma_start3A_90 : memref<8x24x128xf32, #tpu.memory_space<vmem>>) target_semaphore(%run_scoped3A_80 : memref<!tpu.dma_semaphore, #tpu.memory_space<semaphore_mem>>)
      %dma_wait3A_91 = arith.constant 0 : i32
      %dma_wait3A_92 = arith.constant 1 : i32
      %dma_wait3A_93 = arith.constant 0 : i32
      %dma_wait3A_94 = tpu.memref_slice %arg7[%run_scoped3A_4, %dma_wait3A_91, %dma_wait3A_92, %dma_wait3A_93] : memref<3x8x25x128xf32, #tpu.memory_space<vmem>> -> memref<1x8x24x128xf32, #tpu.memory_space<vmem>>
      %dma_wait3A_95 = tpu.memref_squeeze %dma_wait3A_94 : memref<1x8x24x128xf32, #tpu.memory_space<vmem>> -> memref<8x24x128xf32, #tpu.memory_space<vmem>>
      %dma_wait3A_96 = arith.constant 0 : i32
      %dma_wait3A_97 = arith.constant 1 : i32
      %dma_wait3A_98 = arith.constant 0 : i32
      %dma_wait3A_99 = tpu.memref_slice %arg7[%run_scoped3A_4, %dma_wait3A_96, %dma_wait3A_97, %dma_wait3A_98] : memref<3x8x25x128xf32, #tpu.memory_space<vmem>> -> memref<1x8x24x128xf32, #tpu.memory_space<vmem>>
      %dma_wait3A_100 = tpu.memref_squeeze %dma_wait3A_99 : memref<1x8x24x128xf32, #tpu.memory_space<vmem>> -> memref<8x24x128xf32, #tpu.memory_space<vmem>>
      tpu.wait_dma2 semaphore(%run_scoped3A_80 : memref<!tpu.dma_semaphore, #tpu.memory_space<semaphore_mem>>) src(%arg4 : memref<8x24x128xf32, #tpu.memory_space<hbm>>) dst(%dma_wait3A_100 : memref<8x24x128xf32, #tpu.memory_space<vmem>>)
      tpu.yield
    }) : () -> ()
    %run_scoped3A_5 = arith.constant 2 : i32
    "tpu.region"() ({
      %run_scoped3A_80 = tpu.sem_alloc : memref<!tpu.dma_semaphore, #tpu.memory_space<semaphore_mem>>
      %dma_start3A_81 = arith.constant 0 : i32
      %dma_start3A_82 = arith.constant 1 : i32
      %dma_start3A_83 = arith.constant 0 : i32
      %dma_start3A_84 = tpu.memref_slice %arg7[%run_scoped3A_5, %dma_start3A_81, %dma_start3A_82, %dma_start3A_83] : memref<3x8x25x128xf32, #tpu.memory_space<vmem>> -> memref<1x8x24x128xf32, #tpu.memory_space<vmem>>
      %dma_start3A_85 = tpu.memref_squeeze %dma_start3A_84 : memref<1x8x24x128xf32, #tpu.memory_space<vmem>> -> memref<8x24x128xf32, #tpu.memory_space<vmem>>
      %dma_start3A_86 = arith.constant 0 : i32
      %dma_start3A_87 = arith.constant 1 : i32
      %dma_start3A_88 = arith.constant 0 : i32
      %dma_start3A_89 = tpu.memref_slice %arg7[%run_scoped3A_5, %dma_start3A_86, %dma_start3A_87, %dma_start3A_88] : memref<3x8x25x128xf32, #tpu.memory_space<vmem>> -> memref<1x8x24x128xf32, #tpu.memory_space<vmem>>
      %dma_start3A_90 = tpu.memref_squeeze %dma_start3A_89 : memref<1x8x24x128xf32, #tpu.memory_space<vmem>> -> memref<8x24x128xf32, #tpu.memory_space<vmem>>
      tpu.enqueue_dma source(%arg4 : memref<8x24x128xf32, #tpu.memory_space<hbm>>) target(%dma_start3A_90 : memref<8x24x128xf32, #tpu.memory_space<vmem>>) target_semaphore(%run_scoped3A_80 : memref<!tpu.dma_semaphore, #tpu.memory_space<semaphore_mem>>)
      %dma_wait3A_91 = arith.constant 0 : i32
      %dma_wait3A_92 = arith.constant 1 : i32
      %dma_wait3A_93 = arith.constant 0 : i32
      %dma_wait3A_94 = tpu.memref_slice %arg7[%run_scoped3A_5, %dma_wait3A_91, %dma_wait3A_92, %dma_wait3A_93] : memref<3x8x25x128xf32, #tpu.memory_space<vmem>> -> memref<1x8x24x128xf32, #tpu.memory_space<vmem>>
      %dma_wait3A_95 = tpu.memref_squeeze %dma_wait3A_94 : memref<1x8x24x128xf32, #tpu.memory_space<vmem>> -> memref<8x24x128xf32, #tpu.memory_space<vmem>>
      %dma_wait3A_96 = arith.constant 0 : i32
      %dma_wait3A_97 = arith.constant 1 : i32
      %dma_wait3A_98 = arith.constant 0 : i32
      %dma_wait3A_99 = tpu.memref_slice %arg7[%run_scoped3A_5, %dma_wait3A_96, %dma_wait3A_97, %dma_wait3A_98] : memref<3x8x25x128xf32, #tpu.memory_space<vmem>> -> memref<1x8x24x128xf32, #tpu.memory_space<vmem>>
      %dma_wait3A_100 = tpu.memref_squeeze %dma_wait3A_99 : memref<1x8x24x128xf32, #tpu.memory_space<vmem>> -> memref<8x24x128xf32, #tpu.memory_space<vmem>>
      tpu.wait_dma2 semaphore(%run_scoped3A_80 : memref<!tpu.dma_semaphore, #tpu.memory_space<semaphore_mem>>) src(%arg4 : memref<8x24x128xf32, #tpu.memory_space<hbm>>) dst(%dma_wait3A_100 : memref<8x24x128xf32, #tpu.memory_space<vmem>>)
      tpu.yield
    }) : () -> ()
    "tpu.region"() ({
      %run_scoped3A_80 = tpu.sem_alloc : memref<!tpu.dma_semaphore, #tpu.memory_space<semaphore_mem>>
      %dma_start3A_81 = tpu.memref_slice %arg2[%min3A_3] : memref<50000xi32, #tpu.memory_space<hbm>> -> memref<1584xi32, #tpu.memory_space<hbm>>
      %dma_start3A_82 = tpu.memref_slice %arg2[%min3A_3] : memref<50000xi32, #tpu.memory_space<hbm>> -> memref<1584xi32, #tpu.memory_space<hbm>>
      tpu.enqueue_dma source(%dma_start3A_82 : memref<1584xi32, #tpu.memory_space<hbm>>) target(%arg6 : memref<1584xi32, #tpu.memory_space<vmem>>) target_semaphore(%run_scoped3A_80 : memref<!tpu.dma_semaphore, #tpu.memory_space<semaphore_mem>>)
      %dma_wait3A_83 = tpu.memref_slice %arg2[%min3A_3] : memref<50000xi32, #tpu.memory_space<hbm>> -> memref<1584xi32, #tpu.memory_space<hbm>>
      %dma_wait3A_84 = tpu.memref_slice %arg2[%min3A_3] : memref<50000xi32, #tpu.memory_space<hbm>> -> memref<1584xi32, #tpu.memory_space<hbm>>
      tpu.wait_dma2 semaphore(%run_scoped3A_80 : memref<!tpu.dma_semaphore, #tpu.memory_space<semaphore_mem>>) src(%dma_wait3A_84 : memref<1584xi32, #tpu.memory_space<hbm>>) dst(%arg6 : memref<1584xi32, #tpu.memory_space<vmem>>)
      tpu.yield
    }) : () -> ()
    %eq3A = arith.constant 0 : i32
    %eq3A_6 = arith.cmpi eq, %arg1, %eq3A : i32
    %convert_element_type3A = arith.extui %eq3A_6 : i1 to i32
    %cond3A = arith.constant 0 : i32
    %cond3A_7 = arith.cmpi ne, %convert_element_type3A, %cond3A : i32
    scf.if %cond3A_7 {
      "tpu.region"() ({
        %run_scoped3A_80 = tpu.sem_alloc : memref<!tpu.dma_semaphore, #tpu.memory_space<semaphore_mem>>
        tpu.enqueue_dma source(%arg3 : memref<100x1x128xf32, #tpu.memory_space<hbm>>) target(%arg8 : memref<100x1x128xf32, #tpu.memory_space<vmem_shared>>) target_semaphore(%run_scoped3A_80 : memref<!tpu.dma_semaphore, #tpu.memory_space<semaphore_mem>>)
        tpu.wait_dma2 semaphore(%run_scoped3A_80 : memref<!tpu.dma_semaphore, #tpu.memory_space<semaphore_mem>>) src(%arg3 : memref<100x1x128xf32, #tpu.memory_space<hbm>>) dst(%arg8 : memref<100x1x128xf32, #tpu.memory_space<vmem_shared>>)
        tpu.yield
      }) : () -> ()
    } else {
    }
    %barrier3A = arith.constant 0 : index
    tpu.barrier barrier_id(%barrier3A)
    %dma_start3A = arith.constant 0 : i32
    %dma_start3A_8 = arith.constant 0 : i32
    %dma_start3A_9 = arith.constant 0 : i32
    %dma_start3A_10 = arith.constant 0 : i32
    %dma_start3A_11 = tpu.memref_slice %arg7[%dma_start3A, %dma_start3A_8, %dma_start3A_9, %dma_start3A_10] : memref<3x8x25x128xf32, #tpu.memory_space<vmem>> -> memref<1x8x1x128xf32, #tpu.memory_space<vmem>>
    %dma_start3A_12 = tpu.memref_squeeze %dma_start3A_11 : memref<1x8x1x128xf32, #tpu.memory_space<vmem>> -> memref<8x1x128xf32, #tpu.memory_space<vmem>>
    %dma_start3A_13 = arith.constant 0 : i32
    %dma_start3A_14 = tpu.memref_slice %arg6[%dma_start3A_13] : memref<1584xi32, #tpu.memory_space<vmem>> -> memref<8xi32, #tpu.memory_space<vmem>>
    %dma_start3A_15 = arith.constant 0 : i32
    %dma_start3A_16 = arith.constant 0 : i32
    %dma_start3A_17 = arith.constant 0 : i32
    %dma_start3A_18 = tpu.memref_slice %arg8[%dma_start3A_15, %dma_start3A_16, %dma_start3A_17] : memref<100x1x128xf32, #tpu.memory_space<vmem_shared>> -> memref<100x1x128xf32, #tpu.memory_space<vmem_shared>>
    tpu.enqueue_indirect_dma source(%dma_start3A_18 : memref<100x1x128xf32, #tpu.memory_space<vmem_shared>>) target(%dma_start3A_12 : memref<8x1x128xf32, #tpu.memory_space<vmem>>) offsets(%dma_start3A_14 : memref<8xi32, #tpu.memory_space<vmem>>) semaphore(%arg9 : memref<!tpu.dma_semaphore, #tpu.memory_space<semaphore_mem>>)
    %scan3A = arith.constant 0 : i32
    %scan3A_19 = arith.constant 0 : i32
    %scan3A_20 = arith.constant 66 : i32
    %scan3A_21 = arith.addi %scan3A_19, %scan3A_20 : i32
    %scan3A_22 = arith.constant 1 : i32
    scf.for %scan3A_80 = %scan3A_19 to %scan3A_21 step %scan3A_22  : i32 {
      %mul3A_81 = arith.constant 3 : i32
      %mul3A_82 = arith.muli %mul3A_81, %scan3A_80 : i32
      %add3A_83 = arith.constant 0 : i32
      %add3A_84 = arith.addi %mul3A_82, %add3A_83 : i32
      %dma_wait3A_85 = arith.constant 0 : i32
      %dma_wait3A_86 = arith.constant 0 : i32
      %dma_wait3A_87 = arith.constant 0 : i32
      %dma_wait3A_88 = arith.constant 0 : i32
      %dma_wait3A_89 = tpu.memref_slice %arg7[%dma_wait3A_85, %dma_wait3A_86, %dma_wait3A_87, %dma_wait3A_88] : memref<3x8x25x128xf32, #tpu.memory_space<vmem>> -> memref<1x8x1x128xf32, #tpu.memory_space<vmem>>
      %dma_wait3A_90 = tpu.memref_squeeze %dma_wait3A_89 : memref<1x8x1x128xf32, #tpu.memory_space<vmem>> -> memref<8x1x128xf32, #tpu.memory_space<vmem>>
      %dma_wait3A_91 = arith.constant 0 : i32
      %dma_wait3A_92 = tpu.memref_slice %arg6[%dma_wait3A_91] : memref<1584xi32, #tpu.memory_space<vmem>> -> memref<8xi32, #tpu.memory_space<vmem>>
      %dma_wait3A_93 = arith.constant 0 : i32
      %dma_wait3A_94 = arith.constant 0 : i32
      %dma_wait3A_95 = arith.constant 0 : i32
      %dma_wait3A_96 = tpu.memref_slice %arg8[%dma_wait3A_93, %dma_wait3A_94, %dma_wait3A_95] : memref<100x1x128xf32, #tpu.memory_space<vmem_shared>> -> memref<100x1x128xf32, #tpu.memory_space<vmem_shared>>
      tpu.wait_indirect_dma semaphore(%arg9 : memref<!tpu.dma_semaphore, #tpu.memory_space<semaphore_mem>>) src(%dma_wait3A_96 : memref<100x1x128xf32, #tpu.memory_space<vmem_shared>>) dst(%dma_wait3A_90 : memref<8x1x128xf32, #tpu.memory_space<vmem>>)
      %mul3A_97 = arith.constant 8 : i32
      %mul3A_98 = arith.muli %add3A_84, %mul3A_97 : i32
      %add3A_99 = arith.addi %min3A_3, %mul3A_98 : i32
      %dma_start3A_100 = arith.constant 0 : i32
      %dma_start3A_101 = arith.constant 0 : i32
      %dma_start3A_102 = arith.constant 0 : i32
      %dma_start3A_103 = arith.constant 0 : i32
      %dma_start3A_104 = tpu.memref_slice %arg7[%dma_start3A_100, %dma_start3A_101, %dma_start3A_102, %dma_start3A_103] : memref<3x8x25x128xf32, #tpu.memory_space<vmem>> -> memref<1x8x25x128xf32, #tpu.memory_space<vmem>>
      %dma_start3A_105 = tpu.memref_squeeze %dma_start3A_104 : memref<1x8x25x128xf32, #tpu.memory_space<vmem>> -> memref<8x25x128xf32, #tpu.memory_space<vmem>>
      %dma_start3A_106 = arith.constant 0 : i32
      %dma_start3A_107 = arith.constant 0 : i32
      %dma_start3A_108 = tpu.memref_slice %arg5[%add3A_99, %dma_start3A_106, %dma_start3A_107] : memref<50000x25x128xf32, #tpu.memory_space<hbm>> -> memref<8x25x128xf32, #tpu.memory_space<hbm>>
      %dma_start3A_109 = arith.constant 0 : i32
      %dma_start3A_110 = arith.constant 0 : i32
      %dma_start3A_111 = tpu.memref_slice %arg5[%add3A_99, %dma_start3A_109, %dma_start3A_110] : memref<50000x25x128xf32, #tpu.memory_space<hbm>> -> memref<8x25x128xf32, #tpu.memory_space<hbm>>
      %dma_start3A_112 = arith.constant 0 : i32
      %dma_start3A_113 = arith.constant 0 : i32
      %dma_start3A_114 = arith.constant 0 : i32
      %dma_start3A_115 = tpu.memref_slice %arg7[%dma_start3A_100, %dma_start3A_112, %dma_start3A_113, %dma_start3A_114] : memref<3x8x25x128xf32, #tpu.memory_space<vmem>> -> memref<1x8x25x128xf32, #tpu.memory_space<vmem>>
      %dma_start3A_116 = tpu.memref_squeeze %dma_start3A_115 : memref<1x8x25x128xf32, #tpu.memory_space<vmem>> -> memref<8x25x128xf32, #tpu.memory_space<vmem>>
      tpu.enqueue_dma source(%dma_start3A_116 : memref<8x25x128xf32, #tpu.memory_space<vmem>>) target(%dma_start3A_111 : memref<8x25x128xf32, #tpu.memory_space<hbm>>) target_semaphore(%arg12 : memref<!tpu.dma_semaphore, #tpu.memory_space<semaphore_mem>>)
      %ge3A = arith.constant 2 : i32
      %ge3A_117 = arith.cmpi sge, %add3A_84, %ge3A : i32
      %add3A_118 = arith.constant 1 : i32
      %add3A_119 = arith.addi %add3A_84, %add3A_118 : i32
      %lt3A = arith.constant 198 : i32
      %lt3A_120 = arith.cmpi slt, %add3A_119, %lt3A : i32
      %and3A = arith.andi %ge3A_117, %lt3A_120 : i1
      %convert_element_type3A_121 = arith.extui %and3A : i1 to i32
      %cond3A_122 = arith.constant 0 : i32
      %cond3A_123 = arith.cmpi ne, %convert_element_type3A_121, %cond3A_122 : i32
      scf.if %cond3A_123 {
        %dma_wait3A_237 = arith.constant 1 : i32
        %dma_wait3A_238 = arith.constant 0 : i32
        %dma_wait3A_239 = arith.constant 0 : i32
        %dma_wait3A_240 = arith.constant 0 : i32
        %dma_wait3A_241 = tpu.memref_slice %arg7[%dma_wait3A_237, %dma_wait3A_238, %dma_wait3A_239, %dma_wait3A_240] : memref<3x8x25x128xf32, #tpu.memory_space<vmem>> -> memref<1x8x25x128xf32, #tpu.memory_space<vmem>>
        %dma_wait3A_242 = tpu.memref_squeeze %dma_wait3A_241 : memref<1x8x25x128xf32, #tpu.memory_space<vmem>> -> memref<8x25x128xf32, #tpu.memory_space<vmem>>
        %dma_wait3A_243 = arith.constant 0 : i32
        %dma_wait3A_244 = arith.constant 0 : i32
        %dma_wait3A_245 = arith.constant 0 : i32
        %dma_wait3A_246 = tpu.memref_slice %arg5[%dma_wait3A_243, %dma_wait3A_244, %dma_wait3A_245] : memref<50000x25x128xf32, #tpu.memory_space<hbm>> -> memref<8x25x128xf32, #tpu.memory_space<hbm>>
        %dma_wait3A_247 = arith.constant 0 : i32
        %dma_wait3A_248 = arith.constant 0 : i32
        %dma_wait3A_249 = arith.constant 0 : i32
        %dma_wait3A_250 = tpu.memref_slice %arg5[%dma_wait3A_247, %dma_wait3A_248, %dma_wait3A_249] : memref<50000x25x128xf32, #tpu.memory_space<hbm>> -> memref<8x25x128xf32, #tpu.memory_space<hbm>>
        %dma_wait3A_251 = arith.constant 0 : i32
        %dma_wait3A_252 = arith.constant 0 : i32
        %dma_wait3A_253 = arith.constant 0 : i32
        %dma_wait3A_254 = tpu.memref_slice %arg7[%dma_wait3A_237, %dma_wait3A_251, %dma_wait3A_252, %dma_wait3A_253] : memref<3x8x25x128xf32, #tpu.memory_space<vmem>> -> memref<1x8x25x128xf32, #tpu.memory_space<vmem>>
        %dma_wait3A_255 = tpu.memref_squeeze %dma_wait3A_254 : memref<1x8x25x128xf32, #tpu.memory_space<vmem>> -> memref<8x25x128xf32, #tpu.memory_space<vmem>>
        tpu.wait_dma2 semaphore(%arg13 : memref<!tpu.dma_semaphore, #tpu.memory_space<semaphore_mem>>) src(%dma_wait3A_255 : memref<8x25x128xf32, #tpu.memory_space<vmem>>) dst(%dma_wait3A_250 : memref<8x25x128xf32, #tpu.memory_space<hbm>>)
      } else {
      }
      %add3A_124 = arith.constant 1 : i32
      %add3A_125 = arith.addi %add3A_84, %add3A_124 : i32
      %lt3A_126 = arith.constant 198 : i32
      %lt3A_127 = arith.cmpi slt, %add3A_125, %lt3A_126 : i32
      %convert_element_type3A_128 = arith.extui %lt3A_127 : i1 to i32
      %cond3A_129 = arith.constant 0 : i32
      %cond3A_130 = arith.cmpi ne, %convert_element_type3A_128, %cond3A_129 : i32
      scf.if %cond3A_130 {
        %add3A_237 = arith.constant 1 : i32
        %add3A_238 = arith.addi %add3A_84, %add3A_237 : i32
        %mul3A_239 = arith.constant 8 : i32
        %mul3A_240 = arith.muli %add3A_238, %mul3A_239 : i32
        %dma_start3A_241 = arith.constant 1 : i32
        %dma_start3A_242 = arith.constant 0 : i32
        %dma_start3A_243 = arith.constant 0 : i32
        %dma_start3A_244 = arith.constant 0 : i32
        %dma_start3A_245 = tpu.memref_slice %arg7[%dma_start3A_241, %dma_start3A_242, %dma_start3A_243, %dma_start3A_244] : memref<3x8x25x128xf32, #tpu.memory_space<vmem>> -> memref<1x8x1x128xf32, #tpu.memory_space<vmem>>
        %dma_start3A_246 = tpu.memref_squeeze %dma_start3A_245 : memref<1x8x1x128xf32, #tpu.memory_space<vmem>> -> memref<8x1x128xf32, #tpu.memory_space<vmem>>
        %dma_start3A_247 = tpu.memref_slice %arg6[%mul3A_240] : memref<1584xi32, #tpu.memory_space<vmem>> -> memref<8xi32, #tpu.memory_space<vmem>>
        %dma_start3A_248 = arith.constant 0 : i32
        %dma_start3A_249 = arith.constant 0 : i32
        %dma_start3A_250 = arith.constant 0 : i32
        %dma_start3A_251 = tpu.memref_slice %arg8[%dma_start3A_248, %dma_start3A_249, %dma_start3A_250] : memref<100x1x128xf32, #tpu.memory_space<vmem_shared>> -> memref<100x1x128xf32, #tpu.memory_space<vmem_shared>>
        tpu.enqueue_indirect_dma source(%dma_start3A_251 : memref<100x1x128xf32, #tpu.memory_space<vmem_shared>>) target(%dma_start3A_246 : memref<8x1x128xf32, #tpu.memory_space<vmem>>) offsets(%dma_start3A_247 : memref<8xi32, #tpu.memory_space<vmem>>) semaphore(%arg10 : memref<!tpu.dma_semaphore, #tpu.memory_space<semaphore_mem>>)
      } else {
      }
      %mul3A_131 = arith.constant 3 : i32
      %mul3A_132 = arith.muli %mul3A_131, %scan3A_80 : i32
      %add3A_133 = arith.constant 1 : i32
      %add3A_134 = arith.addi %mul3A_132, %add3A_133 : i32
      %dma_wait3A_135 = arith.constant 1 : i32
      %dma_wait3A_136 = arith.constant 0 : i32
      %dma_wait3A_137 = arith.constant 0 : i32
      %dma_wait3A_138 = arith.constant 0 : i32
      %dma_wait3A_139 = tpu.memref_slice %arg7[%dma_wait3A_135, %dma_wait3A_136, %dma_wait3A_137, %dma_wait3A_138] : memref<3x8x25x128xf32, #tpu.memory_space<vmem>> -> memref<1x8x1x128xf32, #tpu.memory_space<vmem>>
      %dma_wait3A_140 = tpu.memref_squeeze %dma_wait3A_139 : memref<1x8x1x128xf32, #tpu.memory_space<vmem>> -> memref<8x1x128xf32, #tpu.memory_space<vmem>>
      %dma_wait3A_141 = arith.constant 0 : i32
      %dma_wait3A_142 = tpu.memref_slice %arg6[%dma_wait3A_141] : memref<1584xi32, #tpu.memory_space<vmem>> -> memref<8xi32, #tpu.memory_space<vmem>>
      %dma_wait3A_143 = arith.constant 0 : i32
      %dma_wait3A_144 = arith.constant 0 : i32
      %dma_wait3A_145 = arith.constant 0 : i32
      %dma_wait3A_146 = tpu.memref_slice %arg8[%dma_wait3A_143, %dma_wait3A_144, %dma_wait3A_145] : memref<100x1x128xf32, #tpu.memory_space<vmem_shared>> -> memref<100x1x128xf32, #tpu.memory_space<vmem_shared>>
      tpu.wait_indirect_dma semaphore(%arg10 : memref<!tpu.dma_semaphore, #tpu.memory_space<semaphore_mem>>) src(%dma_wait3A_146 : memref<100x1x128xf32, #tpu.memory_space<vmem_shared>>) dst(%dma_wait3A_140 : memref<8x1x128xf32, #tpu.memory_space<vmem>>)
      %mul3A_147 = arith.constant 8 : i32
      %mul3A_148 = arith.muli %add3A_134, %mul3A_147 : i32
      %add3A_149 = arith.addi %min3A_3, %mul3A_148 : i32
      %dma_start3A_150 = arith.constant 1 : i32
      %dma_start3A_151 = arith.constant 0 : i32
      %dma_start3A_152 = arith.constant 0 : i32
      %dma_start3A_153 = arith.constant 0 : i32
      %dma_start3A_154 = tpu.memref_slice %arg7[%dma_start3A_150, %dma_start3A_151, %dma_start3A_152, %dma_start3A_153] : memref<3x8x25x128xf32, #tpu.memory_space<vmem>> -> memref<1x8x25x128xf32, #tpu.memory_space<vmem>>
      %dma_start3A_155 = tpu.memref_squeeze %dma_start3A_154 : memref<1x8x25x128xf32, #tpu.memory_space<vmem>> -> memref<8x25x128xf32, #tpu.memory_space<vmem>>
      %dma_start3A_156 = arith.constant 0 : i32
      %dma_start3A_157 = arith.constant 0 : i32
      %dma_start3A_158 = tpu.memref_slice %arg5[%add3A_149, %dma_start3A_156, %dma_start3A_157] : memref<50000x25x128xf32, #tpu.memory_space<hbm>> -> memref<8x25x128xf32, #tpu.memory_space<hbm>>
      %dma_start3A_159 = arith.constant 0 : i32
      %dma_start3A_160 = arith.constant 0 : i32
      %dma_start3A_161 = tpu.memref_slice %arg5[%add3A_149, %dma_start3A_159, %dma_start3A_160] : memref<50000x25x128xf32, #tpu.memory_space<hbm>> -> memref<8x25x128xf32, #tpu.memory_space<hbm>>
      %dma_start3A_162 = arith.constant 0 : i32
      %dma_start3A_163 = arith.constant 0 : i32
      %dma_start3A_164 = arith.constant 0 : i32
      %dma_start3A_165 = tpu.memref_slice %arg7[%dma_start3A_150, %dma_start3A_162, %dma_start3A_163, %dma_start3A_164] : memref<3x8x25x128xf32, #tpu.memory_space<vmem>> -> memref<1x8x25x128xf32, #tpu.memory_space<vmem>>
      %dma_start3A_166 = tpu.memref_squeeze %dma_start3A_165 : memref<1x8x25x128xf32, #tpu.memory_space<vmem>> -> memref<8x25x128xf32, #tpu.memory_space<vmem>>
      tpu.enqueue_dma source(%dma_start3A_166 : memref<8x25x128xf32, #tpu.memory_space<vmem>>) target(%dma_start3A_161 : memref<8x25x128xf32, #tpu.memory_space<hbm>>) target_semaphore(%arg13 : memref<!tpu.dma_semaphore, #tpu.memory_space<semaphore_mem>>)
      %ge3A_167 = arith.constant 2 : i32
      %ge3A_168 = arith.cmpi sge, %add3A_134, %ge3A_167 : i32
      %add3A_169 = arith.constant 1 : i32
      %add3A_170 = arith.addi %add3A_134, %add3A_169 : i32
      %lt3A_171 = arith.constant 198 : i32
      %lt3A_172 = arith.cmpi slt, %add3A_170, %lt3A_171 : i32
      %and3A_173 = arith.andi %ge3A_168, %lt3A_172 : i1
      %convert_element_type3A_174 = arith.extui %and3A_173 : i1 to i32
      %cond3A_175 = arith.constant 0 : i32
      %cond3A_176 = arith.cmpi ne, %convert_element_type3A_174, %cond3A_175 : i32
      scf.if %cond3A_176 {
        %dma_wait3A_237 = arith.constant 2 : i32
        %dma_wait3A_238 = arith.constant 0 : i32
        %dma_wait3A_239 = arith.constant 0 : i32
        %dma_wait3A_240 = arith.constant 0 : i32
        %dma_wait3A_241 = tpu.memref_slice %arg7[%dma_wait3A_237, %dma_wait3A_238, %dma_wait3A_239, %dma_wait3A_240] : memref<3x8x25x128xf32, #tpu.memory_space<vmem>> -> memref<1x8x25x128xf32, #tpu.memory_space<vmem>>
        %dma_wait3A_242 = tpu.memref_squeeze %dma_wait3A_241 : memref<1x8x25x128xf32, #tpu.memory_space<vmem>> -> memref<8x25x128xf32, #tpu.memory_space<vmem>>
        %dma_wait3A_243 = arith.constant 0 : i32
        %dma_wait3A_244 = arith.constant 0 : i32
        %dma_wait3A_245 = arith.constant 0 : i32
        %dma_wait3A_246 = tpu.memref_slice %arg5[%dma_wait3A_243, %dma_wait3A_244, %dma_wait3A_245] : memref<50000x25x128xf32, #tpu.memory_space<hbm>> -> memref<8x25x128xf32, #tpu.memory_space<hbm>>
        %dma_wait3A_247 = arith.constant 0 : i32
        %dma_wait3A_248 = arith.constant 0 : i32
        %dma_wait3A_249 = arith.constant 0 : i32
        %dma_wait3A_250 = tpu.memref_slice %arg5[%dma_wait3A_247, %dma_wait3A_248, %dma_wait3A_249] : memref<50000x25x128xf32, #tpu.memory_space<hbm>> -> memref<8x25x128xf32, #tpu.memory_space<hbm>>
        %dma_wait3A_251 = arith.constant 0 : i32
        %dma_wait3A_252 = arith.constant 0 : i32
        %dma_wait3A_253 = arith.constant 0 : i32
        %dma_wait3A_254 = tpu.memref_slice %arg7[%dma_wait3A_237, %dma_wait3A_251, %dma_wait3A_252, %dma_wait3A_253] : memref<3x8x25x128xf32, #tpu.memory_space<vmem>> -> memref<1x8x25x128xf32, #tpu.memory_space<vmem>>
        %dma_wait3A_255 = tpu.memref_squeeze %dma_wait3A_254 : memref<1x8x25x128xf32, #tpu.memory_space<vmem>> -> memref<8x25x128xf32, #tpu.memory_space<vmem>>
        tpu.wait_dma2 semaphore(%arg14 : memref<!tpu.dma_semaphore, #tpu.memory_space<semaphore_mem>>) src(%dma_wait3A_255 : memref<8x25x128xf32, #tpu.memory_space<vmem>>) dst(%dma_wait3A_250 : memref<8x25x128xf32, #tpu.memory_space<hbm>>)
      } else {
      }
      %add3A_177 = arith.constant 1 : i32
      %add3A_178 = arith.addi %add3A_134, %add3A_177 : i32
      %lt3A_179 = arith.constant 198 : i32
      %lt3A_180 = arith.cmpi slt, %add3A_178, %lt3A_179 : i32
      %convert_element_type3A_181 = arith.extui %lt3A_180 : i1 to i32
      %cond3A_182 = arith.constant 0 : i32
      %cond3A_183 = arith.cmpi ne, %convert_element_type3A_181, %cond3A_182 : i32
      scf.if %cond3A_183 {
        %add3A_237 = arith.constant 1 : i32
        %add3A_238 = arith.addi %add3A_134, %add3A_237 : i32
        %mul3A_239 = arith.constant 8 : i32
        %mul3A_240 = arith.muli %add3A_238, %mul3A_239 : i32
        %dma_start3A_241 = arith.constant 2 : i32
        %dma_start3A_242 = arith.constant 0 : i32
        %dma_start3A_243 = arith.constant 0 : i32
        %dma_start3A_244 = arith.constant 0 : i32
        %dma_start3A_245 = tpu.memref_slice %arg7[%dma_start3A_241, %dma_start3A_242, %dma_start3A_243, %dma_start3A_244] : memref<3x8x25x128xf32, #tpu.memory_space<vmem>> -> memref<1x8x1x128xf32, #tpu.memory_space<vmem>>
        %dma_start3A_246 = tpu.memref_squeeze %dma_start3A_245 : memref<1x8x1x128xf32, #tpu.memory_space<vmem>> -> memref<8x1x128xf32, #tpu.memory_space<vmem>>
        %dma_start3A_247 = tpu.memref_slice %arg6[%mul3A_240] : memref<1584xi32, #tpu.memory_space<vmem>> -> memref<8xi32, #tpu.memory_space<vmem>>
        %dma_start3A_248 = arith.constant 0 : i32
        %dma_start3A_249 = arith.constant 0 : i32
        %dma_start3A_250 = arith.constant 0 : i32
        %dma_start3A_251 = tpu.memref_slice %arg8[%dma_start3A_248, %dma_start3A_249, %dma_start3A_250] : memref<100x1x128xf32, #tpu.memory_space<vmem_shared>> -> memref<100x1x128xf32, #tpu.memory_space<vmem_shared>>
        tpu.enqueue_indirect_dma source(%dma_start3A_251 : memref<100x1x128xf32, #tpu.memory_space<vmem_shared>>) target(%dma_start3A_246 : memref<8x1x128xf32, #tpu.memory_space<vmem>>) offsets(%dma_start3A_247 : memref<8xi32, #tpu.memory_space<vmem>>) semaphore(%arg11 : memref<!tpu.dma_semaphore, #tpu.memory_space<semaphore_mem>>)
      } else {
      }
      %mul3A_184 = arith.constant 3 : i32
      %mul3A_185 = arith.muli %mul3A_184, %scan3A_80 : i32
      %add3A_186 = arith.constant 2 : i32
      %add3A_187 = arith.addi %mul3A_185, %add3A_186 : i32
      %dma_wait3A_188 = arith.constant 2 : i32
      %dma_wait3A_189 = arith.constant 0 : i32
      %dma_wait3A_190 = arith.constant 0 : i32
      %dma_wait3A_191 = arith.constant 0 : i32
      %dma_wait3A_192 = tpu.memref_slice %arg7[%dma_wait3A_188, %dma_wait3A_189, %dma_wait3A_190, %dma_wait3A_191] : memref<3x8x25x128xf32, #tpu.memory_space<vmem>> -> memref<1x8x1x128xf32, #tpu.memory_space<vmem>>
      %dma_wait3A_193 = tpu.memref_squeeze %dma_wait3A_192 : memref<1x8x1x128xf32, #tpu.memory_space<vmem>> -> memref<8x1x128xf32, #tpu.memory_space<vmem>>
      %dma_wait3A_194 = arith.constant 0 : i32
      %dma_wait3A_195 = tpu.memref_slice %arg6[%dma_wait3A_194] : memref<1584xi32, #tpu.memory_space<vmem>> -> memref<8xi32, #tpu.memory_space<vmem>>
      %dma_wait3A_196 = arith.constant 0 : i32
      %dma_wait3A_197 = arith.constant 0 : i32
      %dma_wait3A_198 = arith.constant 0 : i32
      %dma_wait3A_199 = tpu.memref_slice %arg8[%dma_wait3A_196, %dma_wait3A_197, %dma_wait3A_198] : memref<100x1x128xf32, #tpu.memory_space<vmem_shared>> -> memref<100x1x128xf32, #tpu.memory_space<vmem_shared>>
      tpu.wait_indirect_dma semaphore(%arg11 : memref<!tpu.dma_semaphore, #tpu.memory_space<semaphore_mem>>) src(%dma_wait3A_199 : memref<100x1x128xf32, #tpu.memory_space<vmem_shared>>) dst(%dma_wait3A_193 : memref<8x1x128xf32, #tpu.memory_space<vmem>>)
      %mul3A_200 = arith.constant 8 : i32
      %mul3A_201 = arith.muli %add3A_187, %mul3A_200 : i32
      %add3A_202 = arith.addi %min3A_3, %mul3A_201 : i32
      %dma_start3A_203 = arith.constant 2 : i32
      %dma_start3A_204 = arith.constant 0 : i32
      %dma_start3A_205 = arith.constant 0 : i32
      %dma_start3A_206 = arith.constant 0 : i32
      %dma_start3A_207 = tpu.memref_slice %arg7[%dma_start3A_203, %dma_start3A_204, %dma_start3A_205, %dma_start3A_206] : memref<3x8x25x128xf32, #tpu.memory_space<vmem>> -> memref<1x8x25x128xf32, #tpu.memory_space<vmem>>
      %dma_start3A_208 = tpu.memref_squeeze %dma_start3A_207 : memref<1x8x25x128xf32, #tpu.memory_space<vmem>> -> memref<8x25x128xf32, #tpu.memory_space<vmem>>
      %dma_start3A_209 = arith.constant 0 : i32
      %dma_start3A_210 = arith.constant 0 : i32
      %dma_start3A_211 = tpu.memref_slice %arg5[%add3A_202, %dma_start3A_209, %dma_start3A_210] : memref<50000x25x128xf32, #tpu.memory_space<hbm>> -> memref<8x25x128xf32, #tpu.memory_space<hbm>>
      %dma_start3A_212 = arith.constant 0 : i32
      %dma_start3A_213 = arith.constant 0 : i32
      %dma_start3A_214 = tpu.memref_slice %arg5[%add3A_202, %dma_start3A_212, %dma_start3A_213] : memref<50000x25x128xf32, #tpu.memory_space<hbm>> -> memref<8x25x128xf32, #tpu.memory_space<hbm>>
      %dma_start3A_215 = arith.constant 0 : i32
      %dma_start3A_216 = arith.constant 0 : i32
      %dma_start3A_217 = arith.constant 0 : i32
      %dma_start3A_218 = tpu.memref_slice %arg7[%dma_start3A_203, %dma_start3A_215, %dma_start3A_216, %dma_start3A_217] : memref<3x8x25x128xf32, #tpu.memory_space<vmem>> -> memref<1x8x25x128xf32, #tpu.memory_space<vmem>>
      %dma_start3A_219 = tpu.memref_squeeze %dma_start3A_218 : memref<1x8x25x128xf32, #tpu.memory_space<vmem>> -> memref<8x25x128xf32, #tpu.memory_space<vmem>>
      tpu.enqueue_dma source(%dma_start3A_219 : memref<8x25x128xf32, #tpu.memory_space<vmem>>) target(%dma_start3A_214 : memref<8x25x128xf32, #tpu.memory_space<hbm>>) target_semaphore(%arg14 : memref<!tpu.dma_semaphore, #tpu.memory_space<semaphore_mem>>)
      %ge3A_220 = arith.constant 2 : i32
      %ge3A_221 = arith.cmpi sge, %add3A_187, %ge3A_220 : i32
      %add3A_222 = arith.constant 1 : i32
      %add3A_223 = arith.addi %add3A_187, %add3A_222 : i32
      %lt3A_224 = arith.constant 198 : i32
      %lt3A_225 = arith.cmpi slt, %add3A_223, %lt3A_224 : i32
      %and3A_226 = arith.andi %ge3A_221, %lt3A_225 : i1
      %convert_element_type3A_227 = arith.extui %and3A_226 : i1 to i32
      %cond3A_228 = arith.constant 0 : i32
      %cond3A_229 = arith.cmpi ne, %convert_element_type3A_227, %cond3A_228 : i32
      scf.if %cond3A_229 {
        %dma_wait3A_237 = arith.constant 0 : i32
        %dma_wait3A_238 = arith.constant 0 : i32
        %dma_wait3A_239 = arith.constant 0 : i32
        %dma_wait3A_240 = arith.constant 0 : i32
        %dma_wait3A_241 = tpu.memref_slice %arg7[%dma_wait3A_237, %dma_wait3A_238, %dma_wait3A_239, %dma_wait3A_240] : memref<3x8x25x128xf32, #tpu.memory_space<vmem>> -> memref<1x8x25x128xf32, #tpu.memory_space<vmem>>
        %dma_wait3A_242 = tpu.memref_squeeze %dma_wait3A_241 : memref<1x8x25x128xf32, #tpu.memory_space<vmem>> -> memref<8x25x128xf32, #tpu.memory_space<vmem>>
        %dma_wait3A_243 = arith.constant 0 : i32
        %dma_wait3A_244 = arith.constant 0 : i32
        %dma_wait3A_245 = arith.constant 0 : i32
        %dma_wait3A_246 = tpu.memref_slice %arg5[%dma_wait3A_243, %dma_wait3A_244, %dma_wait3A_245] : memref<50000x25x128xf32, #tpu.memory_space<hbm>> -> memref<8x25x128xf32, #tpu.memory_space<hbm>>
        %dma_wait3A_247 = arith.constant 0 : i32
        %dma_wait3A_248 = arith.constant 0 : i32
        %dma_wait3A_249 = arith.constant 0 : i32
        %dma_wait3A_250 = tpu.memref_slice %arg5[%dma_wait3A_247, %dma_wait3A_248, %dma_wait3A_249] : memref<50000x25x128xf32, #tpu.memory_space<hbm>> -> memref<8x25x128xf32, #tpu.memory_space<hbm>>
        %dma_wait3A_251 = arith.constant 0 : i32
        %dma_wait3A_252 = arith.constant 0 : i32
        %dma_wait3A_253 = arith.constant 0 : i32
        %dma_wait3A_254 = tpu.memref_slice %arg7[%dma_wait3A_237, %dma_wait3A_251, %dma_wait3A_252, %dma_wait3A_253] : memref<3x8x25x128xf32, #tpu.memory_space<vmem>> -> memref<1x8x25x128xf32, #tpu.memory_space<vmem>>
        %dma_wait3A_255 = tpu.memref_squeeze %dma_wait3A_254 : memref<1x8x25x128xf32, #tpu.memory_space<vmem>> -> memref<8x25x128xf32, #tpu.memory_space<vmem>>
        tpu.wait_dma2 semaphore(%arg12 : memref<!tpu.dma_semaphore, #tpu.memory_space<semaphore_mem>>) src(%dma_wait3A_255 : memref<8x25x128xf32, #tpu.memory_space<vmem>>) dst(%dma_wait3A_250 : memref<8x25x128xf32, #tpu.memory_space<hbm>>)
      } else {
      }
      %add3A_230 = arith.constant 1 : i32
      %add3A_231 = arith.addi %add3A_187, %add3A_230 : i32
      %lt3A_232 = arith.constant 198 : i32
      %lt3A_233 = arith.cmpi slt, %add3A_231, %lt3A_232 : i32
      %convert_element_type3A_234 = arith.extui %lt3A_233 : i1 to i32
      %cond3A_235 = arith.constant 0 : i32
      %cond3A_236 = arith.cmpi ne, %convert_element_type3A_234, %cond3A_235 : i32
      scf.if %cond3A_236 {
        %add3A_237 = arith.constant 1 : i32
        %add3A_238 = arith.addi %add3A_187, %add3A_237 : i32
        %mul3A_239 = arith.constant 8 : i32
        %mul3A_240 = arith.muli %add3A_238, %mul3A_239 : i32
        %dma_start3A_241 = arith.constant 0 : i32
        %dma_start3A_242 = arith.constant 0 : i32
        %dma_start3A_243 = arith.constant 0 : i32
        %dma_start3A_244 = arith.constant 0 : i32
        %dma_start3A_245 = tpu.memref_slice %arg7[%dma_start3A_241, %dma_start3A_242, %dma_start3A_243, %dma_start3A_244] : memref<3x8x25x128xf32, #tpu.memory_space<vmem>> -> memref<1x8x1x128xf32, #tpu.memory_space<vmem>>
        %dma_start3A_246 = tpu.memref_squeeze %dma_start3A_245 : memref<1x8x1x128xf32, #tpu.memory_space<vmem>> -> memref<8x1x128xf32, #tpu.memory_space<vmem>>
        %dma_start3A_247 = tpu.memref_slice %arg6[%mul3A_240] : memref<1584xi32, #tpu.memory_space<vmem>> -> memref<8xi32, #tpu.memory_space<vmem>>
        %dma_start3A_248 = arith.constant 0 : i32
        %dma_start3A_249 = arith.constant 0 : i32
        %dma_start3A_250 = arith.constant 0 : i32
        %dma_start3A_251 = tpu.memref_slice %arg8[%dma_start3A_248, %dma_start3A_249, %dma_start3A_250] : memref<100x1x128xf32, #tpu.memory_space<vmem_shared>> -> memref<100x1x128xf32, #tpu.memory_space<vmem_shared>>
        tpu.enqueue_indirect_dma source(%dma_start3A_251 : memref<100x1x128xf32, #tpu.memory_space<vmem_shared>>) target(%dma_start3A_246 : memref<8x1x128xf32, #tpu.memory_space<vmem>>) offsets(%dma_start3A_247 : memref<8xi32, #tpu.memory_space<vmem>>) semaphore(%arg9 : memref<!tpu.dma_semaphore, #tpu.memory_space<semaphore_mem>>)
      } else {
      }
    }
    %scan3A_23 = arith.constant 66 : i32
    %dma_wait3A = arith.constant 0 : i32
    %dma_wait3A_24 = arith.constant 0 : i32
    %dma_wait3A_25 = arith.constant 0 : i32
    %dma_wait3A_26 = arith.constant 0 : i32
    %dma_wait3A_27 = tpu.memref_slice %arg7[%dma_wait3A, %dma_wait3A_24, %dma_wait3A_25, %dma_wait3A_26] : memref<3x8x25x128xf32, #tpu.memory_space<vmem>> -> memref<1x8x25x128xf32, #tpu.memory_space<vmem>>
    %dma_wait3A_28 = tpu.memref_squeeze %dma_wait3A_27 : memref<1x8x25x128xf32, #tpu.memory_space<vmem>> -> memref<8x25x128xf32, #tpu.memory_space<vmem>>
    %dma_wait3A_29 = arith.constant 0 : i32
    %dma_wait3A_30 = arith.constant 0 : i32
    %dma_wait3A_31 = arith.constant 0 : i32
    %dma_wait3A_32 = tpu.memref_slice %arg5[%dma_wait3A_29, %dma_wait3A_30, %dma_wait3A_31] : memref<50000x25x128xf32, #tpu.memory_space<hbm>> -> memref<8x25x128xf32, #tpu.memory_space<hbm>>
    %dma_wait3A_33 = arith.constant 0 : i32
    %dma_wait3A_34 = arith.constant 0 : i32
    %dma_wait3A_35 = arith.constant 0 : i32
    %dma_wait3A_36 = tpu.memref_slice %arg5[%dma_wait3A_33, %dma_wait3A_34, %dma_wait3A_35] : memref<50000x25x128xf32, #tpu.memory_space<hbm>> -> memref<8x25x128xf32, #tpu.memory_space<hbm>>
    %dma_wait3A_37 = arith.constant 0 : i32
    %dma_wait3A_38 = arith.constant 0 : i32
    %dma_wait3A_39 = arith.constant 0 : i32
    %dma_wait3A_40 = tpu.memref_slice %arg7[%dma_wait3A, %dma_wait3A_37, %dma_wait3A_38, %dma_wait3A_39] : memref<3x8x25x128xf32, #tpu.memory_space<vmem>> -> memref<1x8x25x128xf32, #tpu.memory_space<vmem>>
    %dma_wait3A_41 = tpu.memref_squeeze %dma_wait3A_40 : memref<1x8x25x128xf32, #tpu.memory_space<vmem>> -> memref<8x25x128xf32, #tpu.memory_space<vmem>>
    tpu.wait_dma2 semaphore(%arg12 : memref<!tpu.dma_semaphore, #tpu.memory_space<semaphore_mem>>) src(%dma_wait3A_41 : memref<8x25x128xf32, #tpu.memory_space<vmem>>) dst(%dma_wait3A_36 : memref<8x25x128xf32, #tpu.memory_space<hbm>>)
    %dma_wait3A_42 = arith.constant 1 : i32
    %dma_wait3A_43 = arith.constant 0 : i32
    %dma_wait3A_44 = arith.constant 0 : i32
    %dma_wait3A_45 = arith.constant 0 : i32
    %dma_wait3A_46 = tpu.memref_slice %arg7[%dma_wait3A_42, %dma_wait3A_43, %dma_wait3A_44, %dma_wait3A_45] : memref<3x8x25x128xf32, #tpu.memory_space<vmem>> -> memref<1x8x25x128xf32, #tpu.memory_space<vmem>>
    %dma_wait3A_47 = tpu.memref_squeeze %dma_wait3A_46 : memref<1x8x25x128xf32, #tpu.memory_space<vmem>> -> memref<8x25x128xf32, #tpu.memory_space<vmem>>
    %dma_wait3A_48 = arith.constant 0 : i32
    %dma_wait3A_49 = arith.constant 0 : i32
    %dma_wait3A_50 = arith.constant 0 : i32
    %dma_wait3A_51 = tpu.memref_slice %arg5[%dma_wait3A_48, %dma_wait3A_49, %dma_wait3A_50] : memref<50000x25x128xf32, #tpu.memory_space<hbm>> -> memref<8x25x128xf32, #tpu.memory_space<hbm>>
    %dma_wait3A_52 = arith.constant 0 : i32
    %dma_wait3A_53 = arith.constant 0 : i32
    %dma_wait3A_54 = arith.constant 0 : i32
    %dma_wait3A_55 = tpu.memref_slice %arg5[%dma_wait3A_52, %dma_wait3A_53, %dma_wait3A_54] : memref<50000x25x128xf32, #tpu.memory_space<hbm>> -> memref<8x25x128xf32, #tpu.memory_space<hbm>>
    %dma_wait3A_56 = arith.constant 0 : i32
    %dma_wait3A_57 = arith.constant 0 : i32
    %dma_wait3A_58 = arith.constant 0 : i32
    %dma_wait3A_59 = tpu.memref_slice %arg7[%dma_wait3A_42, %dma_wait3A_56, %dma_wait3A_57, %dma_wait3A_58] : memref<3x8x25x128xf32, #tpu.memory_space<vmem>> -> memref<1x8x25x128xf32, #tpu.memory_space<vmem>>
    %dma_wait3A_60 = tpu.memref_squeeze %dma_wait3A_59 : memref<1x8x25x128xf32, #tpu.memory_space<vmem>> -> memref<8x25x128xf32, #tpu.memory_space<vmem>>
    tpu.wait_dma2 semaphore(%arg13 : memref<!tpu.dma_semaphore, #tpu.memory_space<semaphore_mem>>) src(%dma_wait3A_60 : memref<8x25x128xf32, #tpu.memory_space<vmem>>) dst(%dma_wait3A_55 : memref<8x25x128xf32, #tpu.memory_space<hbm>>)
    %dma_wait3A_61 = arith.constant 2 : i32
    %dma_wait3A_62 = arith.constant 0 : i32
    %dma_wait3A_63 = arith.constant 0 : i32
    %dma_wait3A_64 = arith.constant 0 : i32
    %dma_wait3A_65 = tpu.memref_slice %arg7[%dma_wait3A_61, %dma_wait3A_62, %dma_wait3A_63, %dma_wait3A_64] : memref<3x8x25x128xf32, #tpu.memory_space<vmem>> -> memref<1x8x25x128xf32, #tpu.memory_space<vmem>>
    %dma_wait3A_66 = tpu.memref_squeeze %dma_wait3A_65 : memref<1x8x25x128xf32, #tpu.memory_space<vmem>> -> memref<8x25x128xf32, #tpu.memory_space<vmem>>
    %dma_wait3A_67 = arith.constant 0 : i32
    %dma_wait3A_68 = arith.constant 0 : i32
    %dma_wait3A_69 = arith.constant 0 : i32
    %dma_wait3A_70 = tpu.memref_slice %arg5[%dma_wait3A_67, %dma_wait3A_68, %dma_wait3A_69] : memref<50000x25x128xf32, #tpu.memory_space<hbm>> -> memref<8x25x128xf32, #tpu.memory_space<hbm>>
    %dma_wait3A_71 = arith.constant 0 : i32
    %dma_wait3A_72 = arith.constant 0 : i32
    %dma_wait3A_73 = arith.constant 0 : i32
    %dma_wait3A_74 = tpu.memref_slice %arg5[%dma_wait3A_71, %dma_wait3A_72, %dma_wait3A_73] : memref<50000x25x128xf32, #tpu.memory_space<hbm>> -> memref<8x25x128xf32, #tpu.memory_space<hbm>>
    %dma_wait3A_75 = arith.constant 0 : i32
    %dma_wait3A_76 = arith.constant 0 : i32
    %dma_wait3A_77 = arith.constant 0 : i32
    %dma_wait3A_78 = tpu.memref_slice %arg7[%dma_wait3A_61, %dma_wait3A_75, %dma_wait3A_76, %dma_wait3A_77] : memref<3x8x25x128xf32, #tpu.memory_space<vmem>> -> memref<1x8x25x128xf32, #tpu.memory_space<vmem>>
    %dma_wait3A_79 = tpu.memref_squeeze %dma_wait3A_78 : memref<1x8x25x128xf32, #tpu.memory_space<vmem>> -> memref<8x25x128xf32, #tpu.memory_space<vmem>>
    tpu.wait_dma2 semaphore(%arg14 : memref<!tpu.dma_semaphore, #tpu.memory_space<semaphore_mem>>) src(%dma_wait3A_79 : memref<8x25x128xf32, #tpu.memory_space<vmem>>) dst(%dma_wait3A_74 : memref<8x25x128xf32, #tpu.memory_space<hbm>>)
    return
  }
}

</mosaic_0001>

<sc_bundles>
// kernel: kernel.3.cloned.1.call-start
scs
__scs_entry_jumppad:
0x0: {  	(pc) =	sbr.rel $0x88, $3  }
0x1: {  	(tag) =	ssettag $0x0;
	lr =	simm.s32 $0x1  }
0x2: {  	[smem:$0x3F9F] =	sst lr;
	_ =	strace $0xD0000000  }
0x3: {  	_ = 	snop  }
0x4: {  	_ = 	snop  }
0x5: {  	_ = 	snop  }
0x6: {  	_ = 	snop  }
0x7: {  	_ = 	snop  }
__scs_overlays_trampoline_lowered:
0x8: {  	[smem:$0x3FAE] =	sst s0  }
0x9: {  	[smem:$0x3FAF] =	sst s1  }
0xa: {  	[smem:$0x3FB0] =	sst s2  }
0xb: {  	[smem:$0x3FB1] =	sst s3  }
0xc: {  	[smem:$0x3FB2] =	sst s4  }
0xd: {  	[smem:$0x3FB3] =	sst s5  }
0xe: {  	[smem:$0x3FB4] =	sst s6  }
0xf: {  	[smem:$0x3FB5] =	sst s7  }
0x10: {  	[smem:$0x3FB6] =	sst s8  }
0x11: {  	[smem:$0x3FB7] =	sst s9;
	s0 =	simm.s32 @!p0 $0x0  }
0x12: {  	s1 =	sld [smem:$0x3F9D];
	s0 =	simm.s32 @p0 $0x1  }
0x13: {  	[smem:$0x3FB8] =	sst s0;
	s0 =	simm.s32 @!p1 $0x0  }
0x14: {  	s2 =	sld [smem:$0x3F9C];
	s0 =	simm.s32 @p1 $0x1  }
0x15: {  	[smem:$0x3FB9] =	sst s0;
	s0 =	simm.s32 @!p2 $0x0  }
0x16: {  	s3 =	sld [smem:$0x3FDB];
	s0 =	simm.s32 @p2 $0x1  }
0x17: {  	s4 =	simm.s32 $0x1BF5;
	[smem:$0x3FBB] =	sst s0  }
0x18: {  	s0 =	sld [smem:$0x3F9E];
	_ =	swait.ge [sflag:s4], $0x0  }
0x19: {  	s7 =	sld [smem:$0x3F9F]  }
0x1a: {  	s8 =	sadd.s32 $0xFFFFE003, lr  }
0x1b: {  	s9 =	sadd.s32 $0xFFFFFEF7, lr;
	s5 =	simm.s32 $0xFFFFFFFF;
	p2 =	slt.u32 s8, $0xFFFFF086  }
0x1c: {  	p1 =	slt.u32 s9, $0xF7A;
	s5 =	simm.s32 @!p2 $0x0  }
0x1d: {  	s5 =	simm.s32 @p1 $0x1;
	p0 =	seq.s32 s7, s2  }
0x1e: {  	s7 =	smul.u32 @!p0 $0xF7A, s2;
	p2 =	seq.s32 @!p0 s5, $0x0  }
0x1f: {  	s9 =	smul.u32 $0xF7A, s1;
	s8 =	simm.s32 @!p0 $0x1BF5;
	p2 =	por !p2, p0  }
0x20: {  	[sflag:s8] =	ssyncset.s32 @!p0 $0xFFFFF086;
	s6 =	sadd.s32 @!p0 s3, s7;
	s7 =	simm.s32 @!p0 $0x108  }
0x21: {  	s3 =	sadd.s32 s3, s9;
	s6 =	sadd.s32 @!p0 $0x88, s6;
	s7 =	simm.s32 @p2 $0x1082  }
0x22: {  	[simem:s7], [sflag:s8] =	dma.local @!p0 [hbm:s6], $0xF7A  }
0x23: {  	s9 =	sor.u32 $0xD0000000, s2;
	s6 =	simm.s32 $0x108;
	_ =	swait.ge @!p0 [sflag:s8], $0x0  }
0x24: {  	s3 =	sadd.s32 $0x88, s3;
	s6 =	simm.s32 @!p1 $0x1082;
	[sflag:s4] =	ssyncset.s32 $0xFFFFF086  }
0x25: {  	[simem:s6], [sflag:s4] =	dma.local [hbm:s3], $0xF7A  }
0x26: {  	[smem:$0x3F9F] =	sst s1;
	(tag) =	ssettag s2;
	_ =	strace s9  }
0x27: {  	s1 =	sld [smem:$0x3FAF]  }
0x28: {  	s2 =	sld [smem:$0x3FB0]  }
0x29: {  	s4 =	sld [smem:$0x3FB2]  }
0x2a: {  	p0 =	seq.s32 s5, $0x0;
	s5 =	sld [smem:$0x3FB3]  }
0x2b: {  	s6 =	sld [smem:$0x3FB4]  }
0x2c: {  	s7 =	sld [smem:$0x3FB5]  }
0x2d: {  	s3 =	simm.s32 $0x108;
	s8 =	sld [smem:$0x3FB6]  }
0x2e: {  	s3 =	simm.s32 @!p0 $0x1082;
	s9 =	sld [smem:$0x3FB7]  }
0x2f: {  	lr =	sadd.s32 s0, s3;
	s0 =	sld [smem:$0x3FAE]  }
0x30: {  	s3 =	sld [smem:$0x3FB1]  }
0x31: {  	[smem:$0x3FBA] =	sst s10  }
0x32: {  	s10 =	sld [smem:$0x3FB8];
	_ =	sdelay $0x3  }
0x33: {  	p0 =	seq.s32 s10, $0x1;
	s10 =	sld [smem:$0x3FBA];
	_ =	sdelay $0x3  }
0x34: {  	[smem:$0x3FBA] =	sst s10  }
0x35: {  	s10 =	sld [smem:$0x3FB9];
	_ =	sdelay $0x3  }
0x36: {  	p1 =	seq.s32 s10, $0x1;
	s10 =	sld [smem:$0x3FBA];
	_ =	sdelay $0x3  }
0x37: {  	[smem:$0x3FBA] =	sst s10  }
0x38: {  	s10 =	sld [smem:$0x3FBB]  }
0x39: {  	_ = 	snop;
	(pc) =	sbr.ind lr, $3  }
0x3a: {  	_ = 	snop  }
0x3b: {  	_ = 	snop  }
0x3c: {  	p2 =	seq.s32 s10, $0x1;
	s10 =	sld [smem:$0x3FBA]  }
0x3d: {  	_ =	shalt  }
0x3e: {  	_ =	shalt  }
0x3f: {  	_ =	shalt  }
0x40: {  	_ =	shalt  }
0x41: {  	_ =	shalt  }
0x42: {  	_ =	shalt  }
0x43: {  	_ =	shalt  }
0x44: {  	_ =	shalt  }
0x45: {  	_ =	shalt  }
0x46: {  	_ =	shalt  }
0x47: {  	_ =	shalt  }
0x48: {  	_ =	shalt  }
0x49: {  	_ =	shalt  }
0x4a: {  	_ =	shalt  }
0x4b: {  	_ =	shalt  }
0x4c: {  	_ =	shalt  }
0x4d: {  	_ =	shalt  }
0x4e: {  	_ =	shalt  }
0x4f: {  	_ =	shalt  }
0x50: {  	_ =	shalt  }
0x51: {  	_ =	shalt  }
0x52: {  	_ =	shalt  }
0x53: {  	_ =	shalt  }
0x54: {  	_ =	shalt  }
0x55: {  	_ =	shalt  }
0x56: {  	_ =	shalt  }
0x57: {  	_ =	shalt  }
0x58: {  	_ =	shalt  }
0x59: {  	_ =	shalt  }
0x5a: {  	_ =	shalt  }
0x5b: {  	_ =	shalt  }
0x5c: {  	_ =	shalt  }
0x5d: {  	_ =	shalt  }
0x5e: {  	_ =	shalt  }
0x5f: {  	_ =	shalt  }
0x60: {  	_ =	shalt  }
0x61: {  	_ =	shalt  }
0x62: {  	_ =	shalt  }
0x63: {  	_ =	shalt  }
0x64: {  	_ =	shalt  }
0x65: {  	_ =	shalt  }
0x66: {  	_ =	shalt  }
0x67: {  	_ =	shalt  }
0x68: {  	_ =	shalt  }
0x69: {  	_ =	shalt  }
0x6a: {  	_ =	shalt  }
0x6b: {  	_ =	shalt  }
0x6c: {  	_ =	shalt  }
0x6d: {  	_ =	shalt  }
0x6e: {  	_ =	shalt  }
0x6f: {  	_ =	shalt  }
0x70: {  	_ =	shalt  }
0x71: {  	_ =	shalt  }
0x72: {  	_ =	shalt  }
0x73: {  	_ =	shalt  }
0x74: {  	_ =	shalt  }
0x75: {  	_ =	shalt  }
0x76: {  	_ =	shalt  }
0x77: {  	_ =	shalt  }
0x78: {  	_ =	shalt  }
0x79: {  	_ =	shalt  }
0x7a: {  	_ =	shalt  }
0x7b: {  	_ =	shalt  }
0x7c: {  	_ =	shalt  }
0x7d: {  	_ =	shalt  }
0x7e: {  	_ =	shalt  }
0x7f: {  	_ =	shalt  }
0x80: {  	_ =	shalt  }
0x81: {  	_ =	shalt  }
0x82: {  	_ =	shalt  }
0x83: {  	_ =	shalt  }
0x84: {  	_ =	shalt  }
0x85: {  	_ =	shalt  }
0x86: {  	_ =	shalt  }
0x87: {  	_ =	shalt  }
.Lfunc_end0:
.L_simem_size_0:
called_computation_lowered:
.L_overlay_start_0:
0x88: {  	s2 =	sld [smem:$0x3FD9]  }
0x89: {  	s3 =	sld [smem:$0x3FFE];
	_ =	sdelay $0x1  }
0x8a: {  	s1 =	srdreg.scid  }
0x8b: {  	s0 =	sand.u32 $0x1, s1  }
0x8c: {  	s17 =	sshll.u32 s0, $0xA;
	s2 =	sadd.s32 s3, s2  }
0x8d: {  	s2 =	sadd.s32 s2, s17  }
0x8e: {  	[smem:$0x3FC6] =	sst s2  }
0x8f: {  	_ = 	snop  }
0x90: {  	s2 =	sld [smem:$0x3FC9]  }
0x91: {  	s18 =	sld [smem:$0x3FD0];
	(tm) =	ssettm $0x1  }
0x92: {  	s4 =	sld [smem:$0x3FFB];
	_ =	sdelay $0x3  }
0x93: {  	_ =	strace s4  }
0x94: {  	s4 =	sld [smem:$0x3FFC];
	_ =	sdelay $0x3  }
0x95: {  	_ =	strace s4  }
0x96: {  	s4 =	sld [smem:$0x3FFD];
	_ =	sdelay $0x3  }
0x97: {  	_ =	strace s4  }
0x98: {  	_ =	strace $0x8FFFFFFF  }
0x99: {  	s19 =	sld [smem:$0x3FDB];
	_ =	sdelay $0x1  }
0x9a: {  	s5 =	simm.s32 $_scs_section_size  }
0x9b: {  	s6 =	simm.s32 $_size__tile_overlayer_lowered;
	s7 =	simm.s32 $_tile_overlayer_lowered  }
0x9c: {  	s22 =	simm.s32 $0x1BFF;
	s21 =	sshll.u32 s7, $0x1;
	s4 =	sadd.s32 s5, s19  }
0x9d: {  	s8 =	simm.s32 $0x0;
	s20 =	sshll.u32 s6, $0x1;
	s6 =	sadd.s32 s21, s4  }
0x9e: {  	[timem:s8], [sflag:s22] =	dma.local [hbm:s6], s20  }
0x9f: {  	_ =	swait.ge [sflag:s22], s20  }
0xa0: {  	s5 =	ssub.s32 $0x0, s20;
	[sflag:s22] =	ssyncset.done $0x0  }
0xa1: {  	[sflag:s22] =	ssyncadd.s32 s5;
	_ =	sdelay $0x1  }
0xa2: {  	s23 =	simm.s32 $0x1B8B  }
0xa3: {  	_ =	swait.ge [sflag:s23], $0x1  }
0xa4: {  	[sflag:s23] =	ssyncset.done $0x0  }
0xa5: {  	s25 =	simm.s32 $0x1B8E;
	s24 =	sld [smem:$0x3FFE];
	[sflag:s23] =	ssyncadd.s32 $0xFFFFFFFF  }
0xa6: {  	s26 =	simm.s32 $execute0_lowered;
	[smem:$0x3FD2] =	sst s25  }
0xa7: {  	s6 =	sshll.u32 s26, $0x1;
	_ =	strace $0x80000046;
	[dreg:$0x1] =	wrdreg $0xFFFFFFFF  }
0xa8: {  	s28 =	simm.s32 $_size_execute0_lowered;
	s4 =	sadd.s32 s4, s6;
	[dreg:$0x0] =	wrdreg $0x0  }
0xa9: {  	s6 =	sshll.u32 s28, $0x1;
	[dreg:$0x2] =	wrdreg s4  }
0xaa: {  	[dreg:$0x3] =	wrdreg s6  }
0xab: {  	[dreg:$0x4] =	wrdreg $0xC0  }
0xac: {  	_ =	task [dreg:s8], $0x5FFFF  }
0xad: {  	[dreg:$0x1] =	wrdreg $0xFFFFFFFF  }
0xae: {  	[dreg:$0x0] =	wrdreg $0x60  }
0xaf: {  	[dreg:$0x2] =	wrdreg s2  }
0xb0: {  	[dreg:$0x3] =	wrdreg s24  }
0xb1: {  	[dreg:$0x4] =	wrdreg s18  }
0xb2: {  	[dreg:$0x5] =	wrdreg $0x186800  }
0xb3: {  	[dreg:$0x6] =	wrdreg $0x9  }
0xb4: {  	_ =	task.clear_ibuf [dreg:s8], $0x7FFFF;
	_ =	strace $0x90000046  }
0xb5: {  	s29 =	simm.s32 $0x9;
	_ =	strace $0x80000048  }
0xb6: {  	_ =	swait.ge [sflag:s29], $0x1  }
0xb7: {  	[sflag:s29] =	ssyncadd.s32 $0xFFFFFFFF  }
0xb8: {  	_ =	strace $0x90000048  }
0xb9: {  	_ =	sfence  }
0xba: {  	s30 =	sld [smem:$0x0];
	_ =	sdelay $0x2  }
0xbb: {  	s31 =	sshll.u32 s1, $0xD;
	s1 =	sshrl.u32 s1, $0x2  }
0xbc: {  	s3 =	sand.u32 $0x4000, s31;
	s1 =	sadd.s32 s1, s30  }
0xbd: {  	s0 =	sor.u32 s3, s0;
	s1 =	sshll.u32 s1, $0x11  }
0xbe: {  	s0 =	sor.u32 s1, s0  }
0xbf: {  	s0 =	sadd.s32 $0x8F2B, s0  }
0xc0: {  	[sflag:s0] =	ssyncadd.remote.s32 $0x1  }
0xc1: {  	_ =	sfence.sel $0xFFFF  }
0xc2: {  	[dreg:$0x0] =	wrdreg $0xFFFFFFFF;
	(pc) =	sbr.abs _section_cstart, $3  }
0xc3: {  	[dreg:$0x1] =	wrdreg $0xFFFFFFFF  }
0xc4: {  	_ =	task.clear_ibuf [dreg:s8], $0x2FFFF;
	_ =	strace $0x9FFFFFFF  }
0xc5: {  	(tm) =	ssettm $0x7FFFFFFF  }
tec
execute0_lowered:
.L_overlay_start_1:
0x0: {  	(tag) =	ssettag $0x1  }
0x1: {  	s0 =	rddreg [dreg:$0x0]  }
0x2: {  	s1 =	rddreg [dreg:$0x1]  }
0x3: {  	s9 =	rddreg [dreg:$0x2]  }
0x4: {  	s2 =	rddreg [dreg:$0x3];
	s3 =	srdreg.scid  }
0x5: {  	s4 =	stileid.u32;
	s15 =	simm.s32 $0x1;
	s11 =	simm.s32 $0x16680  }
0x6: {  	s12 =	simm.s32 $0x17680;
	s13 =	simm.s32 $0x3;
	s29 =	simm.s32 $0x1680  }
0x7: {  	s30 =	simm.s32 $0x2680;
	s31 =	simm.s32 $0x3680;
	s16 =	simm.s32 $0x5680  }
0x8: {  	s17 =	simm.s32 $0x6680;
	s5 =	sand.u32 $0x1, s3;
	s3 =	simm.s32 $0x0  }
0x9: {  	s6 =	smul.u32 $0xC60, s4;
	s10 =	sadd.s32 $0x400, s1;
	[smem:$0x7FF] =	sst s3  }
0xa: {  	s20 =	sadd.s32 $0x180, s9;
	_ =	strace $0x80000047;
	[dreg:$0x5] =	wrdreg s10  }
0xb: {  	s7 =	sshll.u32 s4, $0x1;
	s21 =	sadd.s32 $0x300, s9;
	[dreg:$0x8] =	wrdreg s20  }
0xc: {  	s22 =	sadd.s32 $0x480, s9;
	s23 =	sadd.s32 $0x600, s9;
	[dreg:$0x9] =	wrdreg s21  }
0xd: {  	s24 =	sadd.s32 $0x780, s9;
	s25 =	sadd.s32 $0x900, s9;
	[dreg:$0xa] =	wrdreg s22  }
0xe: {  	s26 =	sadd.s32 $0xA80, s9;
	p0 =	sne.s32 s4, $0x0;
	[dreg:$0xb] =	wrdreg s23  }
0xf: {  	s9 =	simm.s32 $0x14680;
	s8 =	smul.u32 $0x630, s5;
	[dreg:$0xc] =	wrdreg s24  }
0x10: {  	s7 =	sor.u32 s5, s7;
	s5 =	ssub.s32 $0x2, s5;
	[dreg:$0xd] =	wrdreg s25  }
0x11: {  	s7 =	smul.u32 $0x630, s7;
	s18 =	sshrl.u32 s5, $0x1;
	[dreg:$0xe] =	wrdreg s26  }
0x12: {  	s10 =	simm.s32 $0x15680;
	s23 =	simm.s32 $0x4;
	s20 =	simm.s32 $0x9680  }
0x13: {  	s21 =	simm.s32 $0xA680;
	s22 =	simm.s32 $0xB680;
	s6 =	sadd.s32 s8, s6  }
0x14: {  	s5 =	ssub.s32 s5, s18;
	s8 =	simm.s32 $0x13680;
	s18 =	simm.s32 $0x7680  }
.Ltmp0:
0x15: {  	s6 =	smin.u32 s6, $0xBD20;
	s7 =	smin.u32 s7, $0xBD20;
	(pc) =	sbr.rel .LBB2_1-.Ltmp0, $4  }
0x16: {  	s19 =	smax.u32 s5, $0x1;
	s6 =	sshll.u32 s6, $0x9;
	s7 =	sshrl.u32 s7, $0x3  }
0x17: {  	[dreg:$0x7] =	wrdreg s19;
	s1 =	sadd.s32 s6, s1;
	s0 =	sadd.s32 s0, s7  }
0x18: {  	s5 =	simm.s32 $0x2;
	[dreg:$0x6] =	wrdreg s0;
	s28 =	sadd.s32 $0xC00, s1  }
0x19: {  	s19 =	simm.s32 $0x8680;
	s1 =	simm.s32 $0x0;
	[dreg:$0xf] =	wrdreg s28  }
.LBB2_4:
0x1a: {  	s0 =	simm.s32 $0x5  }
0x1b: {  	_ =	swait.ge [sflag:s0], $0x6400  }
0x1c: {  	[sflag:s0] =	ssyncset.done $0x0  }
0x1d: {  	s28 =	simm.s32 $0x6;
	[sflag:s0] =	ssyncadd.s32 $0xFFFF9C00  }
0x1e: {  	_ =	swait.ge [sflag:s28], $0x6400  }
0x1f: {  	s1 =	rddreg [dreg:$0x10]  }
0x20: {  	s14 =	rddreg [dreg:$0x7];
	s1 =	sadd.s32 $0x1, s1  }
0x21: {  	p1 =	sne.s32 s1, s14  }
.Ltmp1:
0x22: {  	_ = 	snop;
	(pc) =	sbr.rel @!p1 .LBB2_5-.Ltmp1, $3  }
0x23: {  	_ =	sdelay $0x1  }
0x24: {  	[sflag:s28] =	ssyncset.done $0x0  }
0x25: {  	[sflag:s28] =	ssyncadd.s32 $0xFFFF9C00  }
.LBB2_1:
0x26: {  	[dreg:$0x10] =	wrdreg s1  }
0x27: {  	s0 =	rddreg [dreg:$0x2];
	s14 =	simm.s32 $0x700  }
0x28: {  	[tilespmem:s14], [sflag:$0x7] =	stream.linear.gather [hbm4b:s0+s3], $0xC00, $0x38;
	[tilespmem:$0x189A0] =	vst v63  }
0x29: {  	s24 =	rddreg [dreg:$0x8];
	s25 =	simm.s32 $0x1700  }
0x2a: {  	[tilespmem:s25], [sflag:$0x7] =	stream.linear.gather [hbm4b:s24+s3], $0xC00, $0x38;
	[tilespmem:$0x189A0] =	vst v63  }
0x2b: {  	s26 =	simm.s32 $0x2700;
	s25 =	rddreg [dreg:$0x9]  }
0x2c: {  	[tilespmem:s26], [sflag:$0x7] =	stream.linear.gather [hbm4b:s25+s3], $0xC00, $0x38;
	[tilespmem:$0x189A0] =	vst v63  }
0x2d: {  	s1 =	simm.s32 $0x3700;
	s26 =	rddreg [dreg:$0xa]  }
0x2e: {  	[tilespmem:s1], [sflag:$0x7] =	stream.linear.gather [hbm4b:s26+s3], $0xC00, $0x38;
	[tilespmem:$0x189A0] =	vst v63  }
0x2f: {  	s4 =	simm.s32 $0x4700;
	s1 =	rddreg [dreg:$0xb]  }
0x30: {  	[tilespmem:s4], [sflag:$0x7] =	stream.linear.gather [hbm4b:s1+s3], $0xC00, $0x38;
	[tilespmem:$0x189A0] =	vst v63  }
0x31: {  	s6 =	simm.s32 $0x5700;
	s4 =	rddreg [dreg:$0xc]  }
0x32: {  	[tilespmem:s6], [sflag:$0x7] =	stream.linear.gather [hbm4b:s4+s3], $0xC00, $0x38;
	[tilespmem:$0x189A0] =	vst v63  }
0x33: {  	s7 =	simm.s32 $0x6700;
	s6 =	rddreg [dreg:$0xd]  }
0x34: {  	[tilespmem:s7], [sflag:$0x7] =	stream.linear.gather [hbm4b:s6+s3], $0xC00, $0x38;
	[tilespmem:$0x189A0] =	vst v63  }
0x35: {  	s28 =	simm.s32 $0x7;
	s14 =	simm.s32 $0x7700;
	s7 =	rddreg [dreg:$0xe]  }
0x36: {  	[tilespmem:s14], [sflag:$0x7] =	stream.linear.gather [hbm4b:s7+s3], $0xC00, $0x38;
	[tilespmem:$0x189A0] =	vst v63  }
0x37: {  	_ =	swait.ge [sflag:s28], $0x6000  }
0x38: {  	[sflag:s28] =	ssyncset.done $0x0  }
0x39: {  	s14 =	simm.s32 $0x8700;
	[sflag:s28] =	ssyncadd.s32 $0xFFFFA000  }
0x3a: {  	[tilespmem:s14], [sflag:$0x7] =	stream.linear.gather [hbm4b:s0+s3], $0xC00, $0x38;
	[tilespmem:$0x189A0] =	vst v63  }
0x3b: {  	s14 =	simm.s32 $0x9700  }
0x3c: {  	[tilespmem:s14], [sflag:$0x7] =	stream.linear.gather [hbm4b:s24+s3], $0xC00, $0x38;
	[tilespmem:$0x189A0] =	vst v63  }
0x3d: {  	s14 =	simm.s32 $0xA700  }
0x3e: {  	[tilespmem:s14], [sflag:$0x7] =	stream.linear.gather [hbm4b:s25+s3], $0xC00, $0x38;
	[tilespmem:$0x189A0] =	vst v63  }
0x3f: {  	s14 =	simm.s32 $0xB700  }
0x40: {  	[tilespmem:s14], [sflag:$0x7] =	stream.linear.gather [hbm4b:s26+s3], $0xC00, $0x38;
	[tilespmem:$0x189A0] =	vst v63  }
0x41: {  	s14 =	simm.s32 $0xC700  }
0x42: {  	[tilespmem:s14], [sflag:$0x7] =	stream.linear.gather [hbm4b:s1+s3], $0xC00, $0x38;
	[tilespmem:$0x189A0] =	vst v63  }
0x43: {  	s14 =	simm.s32 $0xD700  }
0x44: {  	[tilespmem:s14], [sflag:$0x7] =	stream.linear.gather [hbm4b:s4+s3], $0xC00, $0x38;
	[tilespmem:$0x189A0] =	vst v63  }
0x45: {  	s14 =	simm.s32 $0xE700  }
0x46: {  	[tilespmem:s14], [sflag:$0x7] =	stream.linear.gather [hbm4b:s6+s3], $0xC00, $0x38;
	[tilespmem:$0x189A0] =	vst v63  }
0x47: {  	s14 =	simm.s32 $0xF700  }
0x48: {  	[tilespmem:s14], [sflag:$0x7] =	stream.linear.gather [hbm4b:s7+s3], $0xC00, $0x38;
	[tilespmem:$0x189A0] =	vst v63  }
0x49: {  	_ =	swait.ge [sflag:s28], $0x6000  }
0x4a: {  	[sflag:s28] =	ssyncset.done $0x0  }
0x4b: {  	s14 =	simm.s32 $0x10700;
	[sflag:s28] =	ssyncadd.s32 $0xFFFFA000  }
0x4c: {  	[tilespmem:s14], [sflag:$0x7] =	stream.linear.gather [hbm4b:s0+s3], $0xC00, $0x38;
	[tilespmem:$0x189A0] =	vst v63  }
0x4d: {  	s0 =	simm.s32 $0x11700  }
0x4e: {  	[tilespmem:s0], [sflag:$0x7] =	stream.linear.gather [hbm4b:s24+s3], $0xC00, $0x38;
	[tilespmem:$0x189A0] =	vst v63  }
0x4f: {  	s24 =	simm.s32 $0x12700  }
0x50: {  	[tilespmem:s24], [sflag:$0x7] =	stream.linear.gather [hbm4b:s25+s3], $0xC00, $0x38;
	[tilespmem:$0x189A0] =	vst v63  }
0x51: {  	s25 =	simm.s32 $0x13700  }
0x52: {  	[tilespmem:s25], [sflag:$0x7] =	stream.linear.gather [hbm4b:s26+s3], $0xC00, $0x38;
	[tilespmem:$0x189A0] =	vst v63  }
0x53: {  	s0 =	simm.s32 $0x14700  }
0x54: {  	[tilespmem:s0], [sflag:$0x7] =	stream.linear.gather [hbm4b:s1+s3], $0xC00, $0x38;
	[tilespmem:$0x189A0] =	vst v63  }
0x55: {  	s1 =	simm.s32 $0x15700  }
0x56: {  	[tilespmem:s1], [sflag:$0x7] =	stream.linear.gather [hbm4b:s4+s3], $0xC00, $0x38;
	[tilespmem:$0x189A0] =	vst v63  }
0x57: {  	s24 =	simm.s32 $0x16700  }
0x58: {  	[tilespmem:s24], [sflag:$0x7] =	stream.linear.gather [hbm4b:s6+s3], $0xC00, $0x38;
	[tilespmem:$0x189A0] =	vst v63  }
0x59: {  	s25 =	simm.s32 $0x17700  }
0x5a: {  	[tilespmem:s25], [sflag:$0x7] =	stream.linear.gather [hbm4b:s7+s3], $0xC00, $0x38;
	[tilespmem:$0x189A0] =	vst v63  }
0x5b: {  	_ =	swait.ge [sflag:s28], $0x6000  }
0x5c: {  	[sflag:s28] =	ssyncset.done $0x0  }
0x5d: {  	s26 =	rddreg [dreg:$0x6];
	[sflag:s28] =	ssyncadd.s32 $0xFFFFA000  }
0x5e: {  	[tilespmem:s3], [sflag:$0x7] =	stream.linear.gather [hbm4b:s26+s3], $0x630, $0x38;
	[tilespmem:$0x189A0] =	vst v63  }
0x5f: {  	_ =	swait.ge [sflag:s28], $0x630  }
0x60: {  	s14 =	sshrl.u32 @!p0 s2, $0x3;
	[sflag:s28] =	ssyncset.done $0x0  }
0x61: {  	s24 =	simm.s32 @!p0 $0x1C07;
	s25 =	rddreg [dreg:$0x5];
	[sflag:s28] =	ssyncadd.s32 $0xFFFFF9D0  }
0x62: {  	[spmem:s14], [sflag:s24] =	dma.local @!p0 [hbm:s25], $0x640  }
0x63: {  	s14 =	simm.s32 @!p0 $0x7  }
0x64: {  	_ =	swait.ge @!p0 [sflag:s14], $0x640  }
0x65: {  	[sflag:s14] =	ssyncset.done @!p0 $0x0  }
0x66: {  	[sflag:s14] =	ssyncadd.s32 @!p0 $0xFFFFF9C0  }
0x67: {  	[bflag:$0x0] =	sbarrier.arrive $0xFFFF  }
0x68: {  	v0 =	vld.msk [tilespmem:$0x0], $0xff;
	_ =	sdelay $0x4  }
0x69: {  	v0 =	vshll.u32 v0, $0x9  }
0x6a: {  	v0 =	vshra.s32 v0, $0x2  }
0x6b: {  	v0 =	vadd.s32 s2, v0  }
0x6c: {  	(v2sf) =	vpush v0, $0x0;
	_ =	sdelay $0x1  }
0x6d: {  	(v2sf) =	vpush v0, $0x1;
	_ =	sdelay $0x1  }
0x6e: {  	(v2sf) =	vpush v0, $0x2;
	_ =	sdelay $0x1  }
0x6f: {  	(v2sf) =	vpush v0, $0x3;
	_ =	sdelay $0x1  }
0x70: {  	(v2sf) =	vpush v0, $0x4;
	_ =	sdelay $0x1  }
0x71: {  	(v2sf) =	vpush v0, $0x5;
	_ =	sdelay $0x1  }
0x72: {  	(v2sf) =	vpush v0, $0x6;
	_ =	sdelay $0x1  }
0x73: {  	(v2sf) =	vpush v0, $0x7  }
0x74: {  	s28 =	simm.s32 $0x680;
	s0 =	spop (v2sf)  }
0x75: {  	[tilespmem:s28], [sflag:$0x1] =	stream.linear.gather [spmem:s0], $0x80, $0x38;
	[tilespmem:$0x189A0] =	vst v63  }
0x76: {  	s1 =	spop (v2sf)  }
0x77: {  	[tilespmem:s29], [sflag:$0x1] =	stream.linear.gather [spmem:s1], $0x80, $0x38;
	[tilespmem:$0x189A0] =	vst v63  }
0x78: {  	s4 =	spop (v2sf)  }
0x79: {  	[tilespmem:s30], [sflag:$0x1] =	stream.linear.gather [spmem:s4], $0x80, $0x38;
	[tilespmem:$0x189A0] =	vst v63  }
0x7a: {  	s6 =	spop (v2sf)  }
0x7b: {  	[tilespmem:s31], [sflag:$0x1] =	stream.linear.gather [spmem:s6], $0x80, $0x38;
	[tilespmem:$0x189A0] =	vst v63  }
0x7c: {  	s0 =	simm.s32 $0x4680;
	s7 =	spop (v2sf)  }
0x7d: {  	[tilespmem:s0], [sflag:$0x1] =	stream.linear.gather [spmem:s7], $0x80, $0x38;
	[tilespmem:$0x189A0] =	vst v63  }
0x7e: {  	s24 =	spop (v2sf)  }
0x7f: {  	[tilespmem:s16], [sflag:$0x1] =	stream.linear.gather [spmem:s24], $0x80, $0x38;
	[tilespmem:$0x189A0] =	vst v63  }
0x80: {  	s25 =	spop (v2sf)  }
0x81: {  	[tilespmem:s17], [sflag:$0x1] =	stream.linear.gather [spmem:s25], $0x80, $0x38;
	[tilespmem:$0x189A0] =	vst v63  }
0x82: {  	s14 =	simm.s32 $0x10;
	s26 =	spop (v2sf);
	s24 =	simm.s32 $0x0  }
0x83: {  	[tilespmem:s18], [sflag:$0x1] =	stream.linear.gather [spmem:s26], $0x80, $0x38;
	[tilespmem:$0x189A0] =	vst v63  }
.LBB2_2:
0x84: {  	_ =	swait.ge [sflag:s15], $0x400  }
0x85: {  	[sflag:s15] =	ssyncset.done $0x0;
	s25 =	rddreg [dreg:$0xf]  }
0x86: {  	[sflag:s15] =	ssyncadd.s32 $0xFFFFFC00;
	s25 =	sadd.s32 s24, s25  }
0x87: {  	[hbm4b:s25+s3] =	stream.linear.scatter [tilespmem:s28], [sflag:$0x4], $0xC80, $0x38;
	[tilespmem:$0x189A0] =	vst v63  }
0x88: {  	s26 =	sadd.s32 $0x200, s25  }
0x89: {  	[hbm4b:s26+s3] =	stream.linear.scatter [tilespmem:s29], [sflag:$0x4], $0xC80, $0x38;
	[tilespmem:$0x189A0] =	vst v63  }
0x8a: {  	s4 =	sadd.s32 $0x400, s25  }
0x8b: {  	[hbm4b:s4+s3] =	stream.linear.scatter [tilespmem:s30], [sflag:$0x4], $0xC80, $0x38;
	[tilespmem:$0x189A0] =	vst v63  }
0x8c: {  	s6 =	sadd.s32 $0x600, s25  }
0x8d: {  	[hbm4b:s6+s3] =	stream.linear.scatter [tilespmem:s31], [sflag:$0x4], $0xC80, $0x38;
	[tilespmem:$0x189A0] =	vst v63  }
0x8e: {  	s7 =	sadd.s32 $0x800, s25  }
0x8f: {  	[hbm4b:s7+s3] =	stream.linear.scatter [tilespmem:s0], [sflag:$0x4], $0xC80, $0x38;
	[tilespmem:$0x189A0] =	vst v63  }
0x90: {  	s1 =	sadd.s32 $0xA00, s25  }
0x91: {  	[hbm4b:s1+s3] =	stream.linear.scatter [tilespmem:s16], [sflag:$0x4], $0xC80, $0x38;
	[tilespmem:$0x189A0] =	vst v63  }
0x92: {  	p1 =	seq.s32 s24, $0x0;
	s4 =	sadd.s32 $0xC00, s25  }
0x93: {  	[hbm4b:s4+s3] =	stream.linear.scatter [tilespmem:s17], [sflag:$0x4], $0xC80, $0x38;
	[tilespmem:$0x189A0] =	vst v63  }
0x94: {  	s26 =	simm.s32 @!p1 $0x5;
	s6 =	sadd.s32 $0xE00, s25  }
0x95: {  	[hbm4b:s6+s3] =	stream.linear.scatter [tilespmem:s18], [sflag:$0x4], $0xC80, $0x38;
	[tilespmem:$0x189A0] =	vst v63  }
0x96: {  	_ =	swait.ge @!p1 [sflag:s26], $0x6400  }
0x97: {  	[sflag:s26] =	ssyncset.done @!p1 $0x0  }
0x98: {  	[sflag:s26] =	ssyncadd.s32 @!p1 $0xFFFF9C00  }
0x99: {  	v0 =	vld.msk [tilespmem:s14+$0xFFFFFFF8], $0xff;
	_ =	sdelay $0x4  }
0x9a: {  	v0 =	vshll.u32 v0, $0x9  }
0x9b: {  	v0 =	vshra.s32 v0, $0x2  }
0x9c: {  	v0 =	vadd.s32 s2, v0  }
0x9d: {  	(v2sf) =	vpush v0, $0x0;
	_ =	sdelay $0x1  }
0x9e: {  	(v2sf) =	vpush v0, $0x1;
	_ =	sdelay $0x1  }
0x9f: {  	(v2sf) =	vpush v0, $0x2;
	_ =	sdelay $0x1  }
0xa0: {  	(v2sf) =	vpush v0, $0x3;
	_ =	sdelay $0x1  }
0xa1: {  	(v2sf) =	vpush v0, $0x4;
	_ =	sdelay $0x1  }
0xa2: {  	(v2sf) =	vpush v0, $0x5;
	_ =	sdelay $0x1  }
0xa3: {  	(v2sf) =	vpush v0, $0x6;
	_ =	sdelay $0x1  }
0xa4: {  	(v2sf) =	vpush v0, $0x7  }
0xa5: {  	s7 =	spop (v2sf)  }
0xa6: {  	[tilespmem:s19], [sflag:$0x2] =	stream.linear.gather [spmem:s7], $0x80, $0x38;
	[tilespmem:$0x189A0] =	vst v63  }
0xa7: {  	s1 =	spop (v2sf)  }
0xa8: {  	[tilespmem:s20], [sflag:$0x2] =	stream.linear.gather [spmem:s1], $0x80, $0x38;
	[tilespmem:$0x189A0] =	vst v63  }
0xa9: {  	s4 =	spop (v2sf)  }
0xaa: {  	[tilespmem:s21], [sflag:$0x2] =	stream.linear.gather [spmem:s4], $0x80, $0x38;
	[tilespmem:$0x189A0] =	vst v63  }
0xab: {  	s6 =	spop (v2sf)  }
0xac: {  	[tilespmem:s22], [sflag:$0x2] =	stream.linear.gather [spmem:s6], $0x80, $0x38;
	[tilespmem:$0x189A0] =	vst v63  }
0xad: {  	s7 =	spop (v2sf);
	s4 =	simm.s32 $0xC680  }
0xae: {  	[tilespmem:s4], [sflag:$0x2] =	stream.linear.gather [spmem:s7], $0x80, $0x38;
	[tilespmem:$0x189A0] =	vst v63  }
0xaf: {  	s1 =	spop (v2sf);
	s6 =	simm.s32 $0xD680  }
0xb0: {  	[tilespmem:s6], [sflag:$0x2] =	stream.linear.gather [spmem:s1], $0x80, $0x38;
	[tilespmem:$0x189A0] =	vst v63  }
0xb1: {  	s7 =	spop (v2sf);
	s1 =	simm.s32 $0xE680  }
0xb2: {  	[tilespmem:s1], [sflag:$0x2] =	stream.linear.gather [spmem:s7], $0x80, $0x38;
	[tilespmem:$0x189A0] =	vst v63  }
0xb3: {  	s26 =	spop (v2sf);
	s7 =	simm.s32 $0xF680  }
0xb4: {  	[tilespmem:s7], [sflag:$0x2] =	stream.linear.gather [spmem:s26], $0x80, $0x38;
	[tilespmem:$0x189A0] =	vst v63  }
0xb5: {  	_ =	swait.ge [sflag:s5], $0x400  }
0xb6: {  	[sflag:s5] =	ssyncset.done $0x0  }
0xb7: {  	s26 =	sadd.s32 $0x1000, s25;
	[sflag:s5] =	ssyncadd.s32 $0xFFFFFC00  }
0xb8: {  	[hbm4b:s26+s3] =	stream.linear.scatter [tilespmem:s19], [sflag:$0x5], $0xC80, $0x38;
	[tilespmem:$0x189A0] =	vst v63  }
0xb9: {  	s26 =	sadd.s32 $0x1200, s25  }
0xba: {  	[hbm4b:s26+s3] =	stream.linear.scatter [tilespmem:s20], [sflag:$0x5], $0xC80, $0x38;
	[tilespmem:$0x189A0] =	vst v63  }
0xbb: {  	s26 =	sadd.s32 $0x1400, s25  }
0xbc: {  	[hbm4b:s26+s3] =	stream.linear.scatter [tilespmem:s21], [sflag:$0x5], $0xC80, $0x38;
	[tilespmem:$0x189A0] =	vst v63  }
0xbd: {  	s26 =	sadd.s32 $0x1600, s25  }
0xbe: {  	[hbm4b:s26+s3] =	stream.linear.scatter [tilespmem:s22], [sflag:$0x5], $0xC80, $0x38;
	[tilespmem:$0x189A0] =	vst v63  }
0xbf: {  	s26 =	sadd.s32 $0x1800, s25  }
0xc0: {  	[hbm4b:s26+s3] =	stream.linear.scatter [tilespmem:s4], [sflag:$0x5], $0xC80, $0x38;
	[tilespmem:$0x189A0] =	vst v63  }
0xc1: {  	s4 =	sadd.s32 $0x1A00, s25  }
0xc2: {  	[hbm4b:s4+s3] =	stream.linear.scatter [tilespmem:s6], [sflag:$0x5], $0xC80, $0x38;
	[tilespmem:$0x189A0] =	vst v63  }
0xc3: {  	s6 =	sadd.s32 $0x1C00, s25  }
0xc4: {  	[hbm4b:s6+s3] =	stream.linear.scatter [tilespmem:s1], [sflag:$0x5], $0xC80, $0x38;
	[tilespmem:$0x189A0] =	vst v63  }
0xc5: {  	s26 =	simm.s32 @!p1 $0x6;
	s1 =	sadd.s32 $0x1E00, s25  }
0xc6: {  	[hbm4b:s1+s3] =	stream.linear.scatter [tilespmem:s7], [sflag:$0x5], $0xC80, $0x38;
	[tilespmem:$0x189A0] =	vst v63  }
0xc7: {  	_ =	swait.ge @!p1 [sflag:s26], $0x6400  }
0xc8: {  	[sflag:s26] =	ssyncset.done @!p1 $0x0  }
0xc9: {  	[sflag:s26] =	ssyncadd.s32 @!p1 $0xFFFF9C00  }
0xca: {  	v63 =	vld.msk [tilespmem:s14+$0x0], $0xff;
	_ =	sdelay $0x4  }
0xcb: {  	v0 =	vshll.u32 v63, $0x9  }
0xcc: {  	v0 =	vshra.s32 v0, $0x2  }
0xcd: {  	v0 =	vadd.s32 s2, v0  }
0xce: {  	(v2sf) =	vpush v0, $0x0;
	_ =	sdelay $0x1  }
0xcf: {  	(v2sf) =	vpush v0, $0x1;
	_ =	sdelay $0x1  }
0xd0: {  	(v2sf) =	vpush v0, $0x2;
	_ =	sdelay $0x1  }
0xd1: {  	(v2sf) =	vpush v0, $0x3;
	_ =	sdelay $0x1  }
0xd2: {  	(v2sf) =	vpush v0, $0x4;
	_ =	sdelay $0x1  }
0xd3: {  	(v2sf) =	vpush v0, $0x5;
	_ =	sdelay $0x1  }
0xd4: {  	(v2sf) =	vpush v0, $0x6;
	_ =	sdelay $0x1  }
0xd5: {  	(v2sf) =	vpush v0, $0x7  }
0xd6: {  	s1 =	simm.s32 $0x10680;
	s4 =	spop (v2sf)  }
0xd7: {  	[tilespmem:s1], [sflag:$0x3] =	stream.linear.gather [spmem:s4], $0x80, $0x38;
	[tilespmem:$0x189A0] =	vst v63  }
0xd8: {  	s6 =	spop (v2sf);
	s4 =	simm.s32 $0x11680  }
0xd9: {  	[tilespmem:s4], [sflag:$0x3] =	stream.linear.gather [spmem:s6], $0x80, $0x38;
	[tilespmem:$0x189A0] =	vst v63  }
0xda: {  	s7 =	spop (v2sf);
	s6 =	simm.s32 $0x12680  }
0xdb: {  	[tilespmem:s6], [sflag:$0x3] =	stream.linear.gather [spmem:s7], $0x80, $0x38;
	[tilespmem:$0x189A0] =	vst v63  }
0xdc: {  	s7 =	spop (v2sf)  }
0xdd: {  	[tilespmem:s8], [sflag:$0x3] =	stream.linear.gather [spmem:s7], $0x80, $0x38;
	[tilespmem:$0x189A0] =	vst v63  }
0xde: {  	s7 =	spop (v2sf)  }
0xdf: {  	[tilespmem:s9], [sflag:$0x3] =	stream.linear.gather [spmem:s7], $0x80, $0x38;
	[tilespmem:$0x189A0] =	vst v63  }
0xe0: {  	s7 =	spop (v2sf)  }
0xe1: {  	[tilespmem:s10], [sflag:$0x3] =	stream.linear.gather [spmem:s7], $0x80, $0x38;
	[tilespmem:$0x189A0] =	vst v63  }
0xe2: {  	s7 =	spop (v2sf)  }
0xe3: {  	[tilespmem:s11], [sflag:$0x3] =	stream.linear.gather [spmem:s7], $0x80, $0x38;
	[tilespmem:$0x189A0] =	vst v63  }
0xe4: {  	s7 =	spop (v2sf)  }
0xe5: {  	[tilespmem:s12], [sflag:$0x3] =	stream.linear.gather [spmem:s7], $0x80, $0x38;
	[tilespmem:$0x189A0] =	vst v63  }
0xe6: {  	_ =	swait.ge [sflag:s13], $0x400  }
0xe7: {  	[sflag:s13] =	ssyncset.done $0x0  }
0xe8: {  	s7 =	sadd.s32 $0x2000, s25;
	[sflag:s13] =	ssyncadd.s32 $0xFFFFFC00  }
0xe9: {  	[hbm4b:s7+s3] =	stream.linear.scatter [tilespmem:s1], [sflag:$0x6], $0xC80, $0x38;
	[tilespmem:$0x189A0] =	vst v63  }
0xea: {  	s1 =	sadd.s32 $0x2200, s25  }
0xeb: {  	[hbm4b:s1+s3] =	stream.linear.scatter [tilespmem:s4], [sflag:$0x6], $0xC80, $0x38;
	[tilespmem:$0x189A0] =	vst v63  }
0xec: {  	s7 =	sadd.s32 $0x2400, s25  }
0xed: {  	[hbm4b:s7+s3] =	stream.linear.scatter [tilespmem:s6], [sflag:$0x6], $0xC80, $0x38;
	[tilespmem:$0x189A0] =	vst v63  }
0xee: {  	s1 =	sadd.s32 $0x2600, s25  }
0xef: {  	[hbm4b:s1+s3] =	stream.linear.scatter [tilespmem:s8], [sflag:$0x6], $0xC80, $0x38;
	[tilespmem:$0x189A0] =	vst v63  }
0xf0: {  	s4 =	sadd.s32 $0x2800, s25  }
0xf1: {  	[hbm4b:s4+s3] =	stream.linear.scatter [tilespmem:s9], [sflag:$0x6], $0xC80, $0x38;
	[tilespmem:$0x189A0] =	vst v63  }
0xf2: {  	s6 =	sadd.s32 $0x2A00, s25  }
0xf3: {  	[hbm4b:s6+s3] =	stream.linear.scatter [tilespmem:s10], [sflag:$0x6], $0xC80, $0x38;
	[tilespmem:$0x189A0] =	vst v63  }
0xf4: {  	p1 =	seq.s32 s24, $0xC3000;
	s7 =	sadd.s32 $0x2C00, s25  }
0xf5: {  	[hbm4b:s7+s3] =	stream.linear.scatter [tilespmem:s11], [sflag:$0x6], $0xC80, $0x38;
	[tilespmem:$0x189A0] =	vst v63  }
.Ltmp2:
0xf6: {  	s25 =	sadd.s32 $0x2E00, s25;
	(pc) =	sbr.rel @p1 .LBB2_4-.Ltmp2, $4  }
0xf7: {  	[hbm4b:s25+s3] =	stream.linear.scatter [tilespmem:s12], [sflag:$0x6], $0xC80, $0x38;
	[tilespmem:$0x189A0] =	vst v63  }
0xf8: {  	_ =	swait.ge [sflag:s23], $0x6400  }
0xf9: {  	[sflag:s23] =	ssyncset.done $0x0  }
0xfa: {  	[sflag:s23] =	ssyncadd.s32 $0xFFFF9C00  }
0xfb: {  	v0 =	vld.msk [tilespmem:s14+$0x8], $0xff;
	_ =	sdelay $0x4  }
0xfc: {  	v0 =	vshll.u32 v0, $0x9  }
0xfd: {  	v0 =	vshra.s32 v0, $0x2  }
0xfe: {  	v0 =	vadd.s32 s2, v0  }
0xff: {  	(v2sf) =	vpush v0, $0x0;
	_ =	sdelay $0x1  }
0x100: {  	(v2sf) =	vpush v0, $0x1;
	_ =	sdelay $0x1  }
0x101: {  	(v2sf) =	vpush v0, $0x2;
	_ =	sdelay $0x1  }
0x102: {  	(v2sf) =	vpush v0, $0x3;
	_ =	sdelay $0x1  }
0x103: {  	(v2sf) =	vpush v0, $0x4;
	_ =	sdelay $0x1  }
0x104: {  	(v2sf) =	vpush v0, $0x5;
	_ =	sdelay $0x2  }
0x105: {  	(v2sf) =	vpush v0, $0x6;
	_ =	sdelay $0x1  }
0x106: {  	(v2sf) =	vpush v0, $0x7;
	s25 =	spop (v2sf)  }
0x107: {  	[tilespmem:s28], [sflag:$0x1] =	stream.linear.gather [spmem:s25], $0x80, $0x38;
	[tilespmem:$0x189A0] =	vst v63  }
0x108: {  	s7 =	spop (v2sf)  }
0x109: {  	[tilespmem:s29], [sflag:$0x1] =	stream.linear.gather [spmem:s7], $0x80, $0x38;
	[tilespmem:$0x189A0] =	vst v63  }
0x10a: {  	s26 =	spop (v2sf)  }
0x10b: {  	[tilespmem:s30], [sflag:$0x1] =	stream.linear.gather [spmem:s26], $0x80, $0x38;
	[tilespmem:$0x189A0] =	vst v63  }
0x10c: {  	s1 =	spop (v2sf)  }
0x10d: {  	[tilespmem:s31], [sflag:$0x1] =	stream.linear.gather [spmem:s1], $0x80, $0x38;
	[tilespmem:$0x189A0] =	vst v63  }
0x10e: {  	s4 =	spop (v2sf)  }
0x10f: {  	[tilespmem:s0], [sflag:$0x1] =	stream.linear.gather [spmem:s4], $0x80, $0x38;
	[tilespmem:$0x189A0] =	vst v63  }
0x110: {  	s6 =	spop (v2sf)  }
0x111: {  	[tilespmem:s16], [sflag:$0x1] =	stream.linear.gather [spmem:s6], $0x80, $0x38;
	[tilespmem:$0x189A0] =	vst v63  }
.Ltmp3:
0x112: {  	_ = 	snop;
	(pc) =	sbr.rel .LBB2_2-.Ltmp3, $4  }
0x113: {  	s7 =	spop (v2sf)  }
0x114: {  	[tilespmem:s17], [sflag:$0x1] =	stream.linear.gather [spmem:s7], $0x80, $0x38;
	[tilespmem:$0x189A0] =	vst v63  }
0x115: {  	s24 =	sadd.s32 $0x3000, s24;
	s14 =	sadd.s32 $0x18, s14;
	s26 =	spop (v2sf)  }
0x116: {  	[tilespmem:s18], [sflag:$0x1] =	stream.linear.gather [spmem:s26], $0x80, $0x38;
	[tilespmem:$0x189A0] =	vst v63  }
.LBB2_5:
0x117: {  	_ =	sfence.sel $0x180000  }
0x118: {  	[bflag:$0x0] =	sbarrier.arrive $0xFFFF  }
0x119: {  	_ =	strace $0x90000047  }
0x11a: {  	[bflag:$0x2] =	sbarrier.arrive $0xFFFF  }
0x11b: {  	s0 =	rddreg [dreg:$0x4]  }
0x11c: {  	s0 =	sadd.s32 @!p0 $0x100000, s0  }
0x11d: {  	[sflag:s0] =	ssyncadd.tile.s32 @!p0 $0x1;
	_ =	shalt  }
.Lfunc_end2:
_tile_overlayer_lowered:
.L_overlay_start_2:
0x11e: {  	(tag) =	ssettag $0x2  }
0x11f: {  	s0 =	rddreg [dreg:$0x0];
	s2 =	stileid.u32  }
0x120: {  	s1 =	rddreg [dreg:$0x1];
	p0 =	sne.s32 s2, $0x0  }
0x121: {  	s3 =	rddreg [dreg:$0x2];
	[bflag:$0x3] =	sbarrier.arrive $0xFFFF;
	s2 =	simm.s32 @!p0 $0x1C07  }
0x122: {  	[timem:s3], [sflag:s2] =	dma.local @!p0 [hbm:s0], s1  }
0x123: {  	s0 =	simm.s32 @!p0 $0x7  }
0x124: {  	_ =	swait.ge @!p0 [sflag:s0], s1  }
0x125: {  	s1 =	ssub.s32 @!p0 $0x0, s1;
	[sflag:s0] =	ssyncset.done @!p0 $0x0  }
0x126: {  	[sflag:s0] =	ssyncadd.s32 @!p0 s1  }
0x127: {  	[bflag:$0x3] =	sbarrier.arrive $0xFFFF  }
0x128: {  	_ =	shalt  }

</sc_bundles>
